<compile_context>
chip_gen: v7x
topology: tpu7x:2x2x1
jax: 0.10.2.dev20260603
libtpu: 0.0.44.dev20260713+nightly
codegen_flags: <defaults>
</compile_context>

<pallas_src>
import functools

import jax
import jax.numpy as jnp
import numpy as np
from jax import lax
from jax.experimental import pallas as pl
from jax.experimental.pallas import tpu as pltpu
from jax.experimental.pallas import tpu_sc as plsc

N_EMBD = 768
N_HID = 4 * N_EMBD
N_EXP = 64
_B, _T = 4, 8192
N_TOK = _B * _T

TILE = 512

NC, NS, LANES = 2, 16, 16
NW = NC * NS
TPW = N_TOK // NW
CH = 512
NCHUNK = TPW // CH
GPC = CH // LANES


def _score_body(x_ref, w1_ref, b1_ref, w2_ref, b2_ref, wn_ref, tq_ref,
                noise_ref, scal_ref, st_ref):
    xt = x_ref[...]
    h = lax.dot_general(xt, w1_ref[...], (((1,), (1,)), ((), ())),
                        preferred_element_type=jnp.float32)
    h = h + b1_ref[...]
    h = 0.5 * h * (1.0 + lax.erf(h * np.float32(1.0 / np.sqrt(2.0))))
    q = lax.dot_general(h, w2_ref[...], (((1,), (1,)), ((), ())),
                        preferred_element_type=jnp.float32)
    q = q + b2_ref[...]
    s = lax.dot_general(tq_ref[...], q, (((1,), (1,)), ((), ())),
                        preferred_element_type=jnp.float32)
    g = lax.dot_general(wn_ref[...], xt, (((1,), (1,)), ((), ())),
                        preferred_element_type=jnp.float32)
    temp = scal_ref[0]
    inv_tau = scal_ref[1]
    bn = scal_ref[2]
    gate = jax.nn.sigmoid(g + bn)
    st_ref[...] = (s + (temp * gate) * noise_ref[...]) * inv_tau


def _scores_tc(xf, W1, b1, W2, b2, Wn, type_queries, noise_t, scal):
    grid = (N_TOK // TILE,)
    return pl.pallas_call(
        _score_body,
        grid=grid,
        in_specs=[
            pl.BlockSpec((TILE, N_EMBD), lambda i: (i, 0)),
            pl.BlockSpec((N_HID, N_EMBD), lambda i: (0, 0)),
            pl.BlockSpec((1, N_HID), lambda i: (0, 0)),
            pl.BlockSpec((N_EMBD, N_HID), lambda i: (0, 0)),
            pl.BlockSpec((1, N_EMBD), lambda i: (0, 0)),
            pl.BlockSpec((1, N_EMBD), lambda i: (0, 0)),
            pl.BlockSpec((N_EXP, N_EMBD), lambda i: (0, 0)),
            pl.BlockSpec((N_EXP, TILE), lambda i: (0, i)),
            pl.BlockSpec(memory_space=pltpu.SMEM),
        ],
        out_specs=pl.BlockSpec((N_EXP, TILE), lambda i: (0, i)),
        out_shape=jax.ShapeDtypeStruct((N_EXP, N_TOK), jnp.float32),
    )(xf, W1, b1.reshape(1, N_HID), W2, b2.reshape(1, N_EMBD), Wn,
      type_queries, noise_t, scal)


@functools.partial(
    pl.kernel,
    mesh=plsc.VectorSubcoreMesh(core_axis_name="c", subcore_axis_name="s",
                                num_cores=NC, num_subcores=NS),
    out_type=[
        jax.ShapeDtypeStruct((N_TOK * N_EXP,), jnp.float32),
        jax.ShapeDtypeStruct((N_TOK * 2,), jnp.int32),
    ],
    scratch_types=[
        pltpu.VMEM((N_EXP, CH), jnp.float32),
        pltpu.VMEM((CH * N_EXP,), jnp.float32),
        pltpu.VMEM((CH * 2,), jnp.int32),
    ],
    compiler_params=pltpu.CompilerParams(needs_layout_passes=False),
)
def _sc_router(st_hbm, out_hbm, idx_hbm, buf, outbuf, idxbuf):
    wid = lax.axis_index("s") * NC + lax.axis_index("c")
    lane = lax.iota(jnp.int32, LANES)
    zv = jnp.zeros((LANES,), jnp.float32)
    neg = jnp.full((LANES,), -jnp.inf, jnp.float32)
    zi = jnp.zeros((LANES,), jnp.int32)
    for c in range(NCHUNK):
        tok0 = wid * TPW + c * CH
        pltpu.sync_copy(st_hbm.at[:, pl.ds(tok0, CH)], buf)

        def group_body(g, _):
            g16 = g * LANES

            def zero_body(j, _):
                outbuf[pl.ds(g16 * N_EXP + j * LANES, LANES)] = zv
                return 0

            lax.fori_loop(0, (LANES * N_EXP) // LANES, zero_body, 0,
                          unroll=8)

            def expert_body(e, carry):
                m1, i1, m2, i2 = carry
                v = buf[e, pl.ds(g16, LANES)]
                ev = jnp.full((LANES,), e, jnp.int32)
                ga = v > m1
                gb = v > m2
                m2n = jnp.where(ga, m1, jnp.where(gb, v, m2))
                i2n = jnp.where(ga, i1, jnp.where(gb, ev, i2))
                m1n = jnp.where(ga, v, m1)
                i1n = jnp.where(ga, ev, i1)
                return m1n, i1n, m2n, i2n

            m1, i1, m2, i2 = lax.fori_loop(0, N_EXP, expert_body,
                                           (neg, zi, neg, zi), unroll=4)
            e2 = jnp.exp(m2 - m1)
            den = 1.0 + e2
            w1 = 1.0 / den
            w2 = e2 / den
            obase = (g16 + lane) * N_EXP
            plsc.store_scatter(outbuf, [obase + i1], w1)
            plsc.store_scatter(outbuf, [obase + i2], w2)
            ibase = (g16 + lane) * 2
            plsc.store_scatter(idxbuf, [ibase], i1)
            plsc.store_scatter(idxbuf, [ibase + 1], i2)
            return 0

        lax.fori_loop(0, GPC, group_body, 0)
        pltpu.sync_copy(outbuf, out_hbm.at[pl.ds(tok0 * N_EXP, CH * N_EXP)])
        pltpu.sync_copy(idxbuf, idx_hbm.at[pl.ds(tok0 * 2, CH * 2)])


def kernel(x, W1, b1, W2, b2, Wn, bn, type_queries, temperature):
    Bsz, Tlen, C = x.shape
    xf = x.reshape(N_TOK, C)
    noise = jax.random.normal(jax.random.key(42), (N_TOK, N_EXP),
                              dtype=jnp.float32)
    noise_t = noise.T
    temp = jnp.clip(temperature * (0.95 ** (Tlen // 1000)), 0.1, 1.0)
    scal = jnp.stack([temp, 1.0 / (temp + 1e-6), bn[0]]).astype(jnp.float32)

    st = _scores_tc(xf, W1, b1, W2, b2, Wn, type_queries, noise_t, scal)
    out_flat, idx_flat = _sc_router(st)
    return (out_flat.reshape(Bsz, Tlen, N_EXP),
            idx_flat.reshape(Bsz, Tlen, 2))

# --- scband reference (transcript-rebuilt; emitter-appended) ---
"""Pipeline reference for scband-noisy-topk-router-89498528514677 (READ-ONLY COPY).

The authoritative reference and input builder live on the scoring server;
editing this copy changes nothing except your own understanding.
"""

import jax, jax.numpy as jnp
import numpy as np

N_EMBD = 768
NUM_EXPERTS = 64
TOP_K = 2
B, T = 4, 8192


def setup_inputs(seed: int = 0) -> dict:
    key = jax.random.key(seed)
    ks = jax.random.split(key, 9)
    x = jax.random.normal(ks[0], (B, T, N_EMBD), dtype=jnp.float32)
    # route_net: Linear(C, 4C) -> GELU -> Linear(4C, C)
    W1 = jax.random.normal(ks[1], (4 * N_EMBD, N_EMBD), dtype=jnp.float32) * (1.0 / np.sqrt(N_EMBD))
    b1 = jnp.zeros((4 * N_EMBD,), dtype=jnp.float32)
    W2 = jax.random.normal(ks[2], (N_EMBD, 4 * N_EMBD), dtype=jnp.float32) * (1.0 / np.sqrt(4 * N_EMBD))
    b2 = jnp.zeros((N_EMBD,), dtype=jnp.float32)
    # noise_linear: Linear(C, 1)
    Wn = jax.random.normal(ks[3], (1, N_EMBD), dtype=jnp.float32) * (1.0 / np.sqrt(N_EMBD))
    bn = jnp.zeros((1,), dtype=jnp.float32)
    type_queries = jax.random.normal(ks[4], (NUM_EXPERTS, N_EMBD), dtype=jnp.float32)
    temperature = jnp.array(1.0, dtype=jnp.float32)
    return {"x": x, "W1": W1, "b1": b1, "W2": W2, "b2": b2, "Wn": Wn, "bn": bn, "type_queries": type_queries, "temperature": temperature}


def reference(x, W1, b1, W2, b2, Wn, bn, type_queries, temperature):
    Bsz, Tlen, C = x.shape
    # route_net
    h = jnp.dot(x, W1.T) + b1
    h = jax.nn.gelu(h, approximate=False)
    query = jnp.dot(h, W2.T) + b2
    # scores over experts
    scores = jnp.einsum('btc,ec->bte', query, type_queries)
    # temperature decay + clamp (matches torch .data mutation done before use)
    temp = jnp.clip(temperature * (0.95 ** (Tlen // 1000)), 0.1, 1.0)
    # input-dependent noise gate
    gate = jax.nn.sigmoid(jnp.dot(x, Wn.T) + bn)  # [B, T, 1]
    noise = jax.random.normal(jax.random.key(42), scores.shape, dtype=scores.dtype) * gate
    noisy_scores = scores + temp * noise
    topk_val, topk_idx = jax.lax.top_k(noisy_scores, TOP_K)
    mask = jax.nn.one_hot(topk_idx, noisy_scores.shape[-1], dtype=noisy_scores.dtype).sum(axis=-2)
    sparse_scores = jnp.where(mask == 0, -jnp.inf, noisy_scores)
    router_output = jax.nn.softmax(sparse_scores / (temp + 1e-6), axis=-1)
    return (router_output, topk_idx)

if __name__ == "__main__":
    import jax
    _d = setup_inputs()
    print(jax.jit(kernel)(*tuple(_d.values())))

</pallas_src>

<mosaic_0001>
#map = affine_map<(d0, d1) -> (0, 0)>
#map1 = affine_map<(d0, d1) -> (0)>
module attributes {stable_mosaic.version = 14 : i64} {
  func.func @_sc_router(%arg0: i32, %arg1: i32, %arg2: memref<64x32768xf32, #tpu.memory_space<hbm>>, %arg3: memref<2097152xf32, #tpu.memory_space<hbm>>, %arg4: memref<65536xi32, #tpu.memory_space<hbm>>, %arg5: memref<64x512xf32, #tpu.memory_space<vmem>>, %arg6: memref<32768xf32, #tpu.memory_space<vmem>>, %arg7: memref<1024xi32, #tpu.memory_space<vmem>>) attributes {dimension_semantics = [#tpu.dimension_semantics<core_parallel>, #tpu.dimension_semantics<subcore_parallel>], iteration_bounds = array<i64: 2, 16>, scalar_prefetch = 0 : i64, scratch_operands = 3 : i64, tpu.core_type = #tpu.core_type<sc_vector_subcore>, window_params = [{transform_indices = #map}, {transform_indices = #map1}, {transform_indices = #map1}]} {
    %mul3A = arith.constant 2 : i32
    %mul3A_0 = arith.muli %arg1, %mul3A : i32
    %add3A = arith.addi %mul3A_0, %arg0 : i32
    %iota3A = tpu.iota {dimensions = array<i32: 0>} : vector<16xi32>
    %broadcast_in_dim3A = arith.constant 0.000000e+00 : f32
    %broadcast_in_dim3A_1 = vector.broadcast %broadcast_in_dim3A : f32 to vector<16xf32>
    %broadcast_in_dim3A_2 = arith.constant 0xFF800000 : f32
    %broadcast_in_dim3A_3 = vector.broadcast %broadcast_in_dim3A_2 : f32 to vector<16xf32>
    %broadcast_in_dim3A_4 = arith.constant 0 : i32
    %broadcast_in_dim3A_5 = vector.broadcast %broadcast_in_dim3A_4 : i32 to vector<16xi32>
    %mul3A_6 = arith.constant 1024 : i32
    %mul3A_7 = arith.muli %add3A, %mul3A_6 : i32
    %add3A_8 = arith.constant 0 : i32
    %add3A_9 = arith.addi %mul3A_7, %add3A_8 : i32
    "tpu.region"() ({
      %run_scoped3A = tpu.sem_alloc : memref<!tpu.dma_semaphore, #tpu.memory_space<semaphore_mem>>
      %dma_start3A = arith.constant 0 : i32
      %dma_start3A_35 = tpu.memref_slice %arg2[%dma_start3A, %add3A_9] : memref<64x32768xf32, #tpu.memory_space<hbm>> -> memref<64x512xf32, #tpu.memory_space<hbm>>
      %dma_start3A_36 = arith.constant 0 : i32
      %dma_start3A_37 = tpu.memref_slice %arg2[%dma_start3A_36, %add3A_9] : memref<64x32768xf32, #tpu.memory_space<hbm>> -> memref<64x512xf32, #tpu.memory_space<hbm>>
      tpu.enqueue_dma source(%dma_start3A_37 : memref<64x512xf32, #tpu.memory_space<hbm>>) target(%arg5 : memref<64x512xf32, #tpu.memory_space<vmem>>) target_semaphore(%run_scoped3A : memref<!tpu.dma_semaphore, #tpu.memory_space<semaphore_mem>>)
      %dma_wait3A = arith.constant 0 : i32
      %dma_wait3A_38 = tpu.memref_slice %arg2[%dma_wait3A, %add3A_9] : memref<64x32768xf32, #tpu.memory_space<hbm>> -> memref<64x512xf32, #tpu.memory_space<hbm>>
      %dma_wait3A_39 = arith.constant 0 : i32
      %dma_wait3A_40 = tpu.memref_slice %arg2[%dma_wait3A_39, %add3A_9] : memref<64x32768xf32, #tpu.memory_space<hbm>> -> memref<64x512xf32, #tpu.memory_space<hbm>>
      tpu.wait_dma2 semaphore(%run_scoped3A : memref<!tpu.dma_semaphore, #tpu.memory_space<semaphore_mem>>) src(%dma_wait3A_40 : memref<64x512xf32, #tpu.memory_space<hbm>>) dst(%arg5 : memref<64x512xf32, #tpu.memory_space<vmem>>)
      tpu.yield
    }) : () -> ()
    %scan3A = arith.constant 0 : i32
    %scan3A_10 = arith.constant 0 : i32
    %scan3A_11 = arith.constant 32 : i32
    %scan3A_12 = arith.addi %scan3A_10, %scan3A_11 : i32
    %scan3A_13 = arith.constant 1 : i32
    %scan3A_14 = scf.for %scan3A_35 = %scan3A_10 to %scan3A_12 step %scan3A_13 iter_args(%scan3A_36 = %scan3A) -> (i32)  : i32 {
      %mul3A_37 = arith.constant 16 : i32
      %mul3A_38 = arith.muli %scan3A_35, %mul3A_37 : i32
      %scan3A_39 = arith.constant 0 : i32
      %scan3A_40 = arith.constant 0 : i32
      %scan3A_41 = arith.constant 64 : i32
      %scan3A_42 = arith.addi %scan3A_40, %scan3A_41 : i32
      %scan3A_43 = arith.constant 8 : i32
      %scan3A_44 = scf.for %scan3A_74 = %scan3A_40 to %scan3A_42 step %scan3A_43 iter_args(%scan3A_75 = %scan3A_39) -> (i32)  : i32 {
        %mul3A_76 = arith.constant 64 : i32
        %mul3A_77 = arith.muli %mul3A_38, %mul3A_76 : i32
        %mul3A_78 = arith.constant 16 : i32
        %mul3A_79 = arith.muli %scan3A_74, %mul3A_78 : i32
        %add3A_80 = arith.addi %mul3A_77, %mul3A_79 : i32
        %swap3A = arith.index_cast %add3A_80 : i32 to index
        %swap3A_81 = tpu.vector_load %arg6[%swap3A] {strides = array<i32>} : memref<32768xf32, #tpu.memory_space<vmem>>, vector<16xf32>,
        tpu.vector_store %arg6[%swap3A], %broadcast_in_dim3A_1 {strides = array<i32>} : memref<32768xf32, #tpu.memory_space<vmem>>, vector<16xf32>,
        %scan3A_82 = arith.constant 0 : i32
        %scan3A_83 = arith.constant 1 : i32
        %scan3A_84 = arith.addi %scan3A_74, %scan3A_83 : i32
        %mul3A_85 = arith.constant 64 : i32
        %mul3A_86 = arith.muli %mul3A_38, %mul3A_85 : i32
        %mul3A_87 = arith.constant 16 : i32
        %mul3A_88 = arith.muli %scan3A_84, %mul3A_87 : i32
        %add3A_89 = arith.addi %mul3A_86, %mul3A_88 : i32
        %swap3A_90 = arith.index_cast %add3A_89 : i32 to index
        %swap3A_91 = tpu.vector_load %arg6[%swap3A_90] {strides = array<i32>} : memref<32768xf32, #tpu.memory_space<vmem>>, vector<16xf32>,
        tpu.vector_store %arg6[%swap3A_90], %broadcast_in_dim3A_1 {strides = array<i32>} : memref<32768xf32, #tpu.memory_space<vmem>>, vector<16xf32>,
        %scan3A_92 = arith.constant 0 : i32
        %scan3A_93 = arith.constant 2 : i32
        %scan3A_94 = arith.addi %scan3A_74, %scan3A_93 : i32
        %mul3A_95 = arith.constant 64 : i32
        %mul3A_96 = arith.muli %mul3A_38, %mul3A_95 : i32
        %mul3A_97 = arith.constant 16 : i32
        %mul3A_98 = arith.muli %scan3A_94, %mul3A_97 : i32
        %add3A_99 = arith.addi %mul3A_96, %mul3A_98 : i32
        %swap3A_100 = arith.index_cast %add3A_99 : i32 to index
        %swap3A_101 = tpu.vector_load %arg6[%swap3A_100] {strides = array<i32>} : memref<32768xf32, #tpu.memory_space<vmem>>, vector<16xf32>,
        tpu.vector_store %arg6[%swap3A_100], %broadcast_in_dim3A_1 {strides = array<i32>} : memref<32768xf32, #tpu.memory_space<vmem>>, vector<16xf32>,
        %scan3A_102 = arith.constant 0 : i32
        %scan3A_103 = arith.constant 3 : i32
        %scan3A_104 = arith.addi %scan3A_74, %scan3A_103 : i32
        %mul3A_105 = arith.constant 64 : i32
        %mul3A_106 = arith.muli %mul3A_38, %mul3A_105 : i32
        %mul3A_107 = arith.constant 16 : i32
        %mul3A_108 = arith.muli %scan3A_104, %mul3A_107 : i32
        %add3A_109 = arith.addi %mul3A_106, %mul3A_108 : i32
        %swap3A_110 = arith.index_cast %add3A_109 : i32 to index
        %swap3A_111 = tpu.vector_load %arg6[%swap3A_110] {strides = array<i32>} : memref<32768xf32, #tpu.memory_space<vmem>>, vector<16xf32>,
        tpu.vector_store %arg6[%swap3A_110], %broadcast_in_dim3A_1 {strides = array<i32>} : memref<32768xf32, #tpu.memory_space<vmem>>, vector<16xf32>,
        %scan3A_112 = arith.constant 0 : i32
        %scan3A_113 = arith.constant 4 : i32
        %scan3A_114 = arith.addi %scan3A_74, %scan3A_113 : i32
        %mul3A_115 = arith.constant 64 : i32
        %mul3A_116 = arith.muli %mul3A_38, %mul3A_115 : i32
        %mul3A_117 = arith.constant 16 : i32
        %mul3A_118 = arith.muli %scan3A_114, %mul3A_117 : i32
        %add3A_119 = arith.addi %mul3A_116, %mul3A_118 : i32
        %swap3A_120 = arith.index_cast %add3A_119 : i32 to index
        %swap3A_121 = tpu.vector_load %arg6[%swap3A_120] {strides = array<i32>} : memref<32768xf32, #tpu.memory_space<vmem>>, vector<16xf32>,
        tpu.vector_store %arg6[%swap3A_120], %broadcast_in_dim3A_1 {strides = array<i32>} : memref<32768xf32, #tpu.memory_space<vmem>>, vector<16xf32>,
        %scan3A_122 = arith.constant 0 : i32
        %scan3A_123 = arith.constant 5 : i32
        %scan3A_124 = arith.addi %scan3A_74, %scan3A_123 : i32
        %mul3A_125 = arith.constant 64 : i32
        %mul3A_126 = arith.muli %mul3A_38, %mul3A_125 : i32
        %mul3A_127 = arith.constant 16 : i32
        %mul3A_128 = arith.muli %scan3A_124, %mul3A_127 : i32
        %add3A_129 = arith.addi %mul3A_126, %mul3A_128 : i32
        %swap3A_130 = arith.index_cast %add3A_129 : i32 to index
        %swap3A_131 = tpu.vector_load %arg6[%swap3A_130] {strides = array<i32>} : memref<32768xf32, #tpu.memory_space<vmem>>, vector<16xf32>,
        tpu.vector_store %arg6[%swap3A_130], %broadcast_in_dim3A_1 {strides = array<i32>} : memref<32768xf32, #tpu.memory_space<vmem>>, vector<16xf32>,
        %scan3A_132 = arith.constant 0 : i32
        %scan3A_133 = arith.constant 6 : i32
        %scan3A_134 = arith.addi %scan3A_74, %scan3A_133 : i32
        %mul3A_135 = arith.constant 64 : i32
        %mul3A_136 = arith.muli %mul3A_38, %mul3A_135 : i32
        %mul3A_137 = arith.constant 16 : i32
        %mul3A_138 = arith.muli %scan3A_134, %mul3A_137 : i32
        %add3A_139 = arith.addi %mul3A_136, %mul3A_138 : i32
        %swap3A_140 = arith.index_cast %add3A_139 : i32 to index
        %swap3A_141 = tpu.vector_load %arg6[%swap3A_140] {strides = array<i32>} : memref<32768xf32, #tpu.memory_space<vmem>>, vector<16xf32>,
        tpu.vector_store %arg6[%swap3A_140], %broadcast_in_dim3A_1 {strides = array<i32>} : memref<32768xf32, #tpu.memory_space<vmem>>, vector<16xf32>,
        %scan3A_142 = arith.constant 0 : i32
        %scan3A_143 = arith.constant 7 : i32
        %scan3A_144 = arith.addi %scan3A_74, %scan3A_143 : i32
        %mul3A_145 = arith.constant 64 : i32
        %mul3A_146 = arith.muli %mul3A_38, %mul3A_145 : i32
        %mul3A_147 = arith.constant 16 : i32
        %mul3A_148 = arith.muli %scan3A_144, %mul3A_147 : i32
        %add3A_149 = arith.addi %mul3A_146, %mul3A_148 : i32
        %swap3A_150 = arith.index_cast %add3A_149 : i32 to index
        %swap3A_151 = tpu.vector_load %arg6[%swap3A_150] {strides = array<i32>} : memref<32768xf32, #tpu.memory_space<vmem>>, vector<16xf32>,
        tpu.vector_store %arg6[%swap3A_150], %broadcast_in_dim3A_1 {strides = array<i32>} : memref<32768xf32, #tpu.memory_space<vmem>>, vector<16xf32>,
        %scan3A_152 = arith.constant 0 : i32
        scf.yield %scan3A_152 : i32
      }
      %scan3A_45 = arith.constant 64 : i32
      %scan3A_46 = arith.constant 0 : i32
      %scan3A_47 = arith.constant 64 : i32
      %scan3A_48 = arith.addi %scan3A_46, %scan3A_47 : i32
      %scan3A_49 = arith.constant 4 : i32
      %scan3A_50:4 = scf.for %scan3A_74 = %scan3A_46 to %scan3A_48 step %scan3A_49 iter_args(%scan3A_75 = %broadcast_in_dim3A_3, %scan3A_76 = %broadcast_in_dim3A_5, %scan3A_77 = %broadcast_in_dim3A_3, %scan3A_78 = %broadcast_in_dim3A_5) -> (vector<16xf32>, vector<16xi32>, vector<16xf32>, vector<16xi32>)  : i32 {
        %get3A = arith.index_cast %scan3A_74 : i32 to index
        %get3A_79 = arith.index_cast %mul3A_38 : i32 to index
        %get3A_80 = tpu.vector_load %arg5[%get3A, %get3A_79] {strides = array<i32>} : memref<64x512xf32, #tpu.memory_space<vmem>>, vector<16xf32>,
        %broadcast_in_dim3A_81 = vector.broadcast %scan3A_74 : i32 to vector<16xi32>
        %gt3A = arith.cmpf ogt, %get3A_80, %scan3A_75 : vector<16xf32>
        %gt3A_82 = arith.cmpf ogt, %get3A_80, %scan3A_77 : vector<16xf32>
        %select_n3A = arith.select %gt3A_82, %get3A_80, %scan3A_77 : vector<16xi1>, vector<16xf32>
        %select_n3A_83 = arith.select %gt3A, %scan3A_75, %select_n3A : vector<16xi1>, vector<16xf32>
        %select_n3A_84 = arith.select %gt3A_82, %broadcast_in_dim3A_81, %scan3A_78 : vector<16xi1>, vector<16xi32>
        %select_n3A_85 = arith.select %gt3A, %scan3A_76, %select_n3A_84 : vector<16xi1>, vector<16xi32>
        %select_n3A_86 = arith.select %gt3A, %get3A_80, %scan3A_75 : vector<16xi1>, vector<16xf32>
        %select_n3A_87 = arith.select %gt3A, %broadcast_in_dim3A_81, %scan3A_76 : vector<16xi1>, vector<16xi32>
        %scan3A_88 = arith.constant 1 : i32
        %scan3A_89 = arith.addi %scan3A_74, %scan3A_88 : i32
        %get3A_90 = arith.index_cast %scan3A_89 : i32 to index
        %get3A_91 = arith.index_cast %mul3A_38 : i32 to index
        %get3A_92 = tpu.vector_load %arg5[%get3A_90, %get3A_91] {strides = array<i32>} : memref<64x512xf32, #tpu.memory_space<vmem>>, vector<16xf32>,
        %broadcast_in_dim3A_93 = vector.broadcast %scan3A_89 : i32 to vector<16xi32>
        %gt3A_94 = arith.cmpf ogt, %get3A_92, %select_n3A_86 : vector<16xf32>
        %gt3A_95 = arith.cmpf ogt, %get3A_92, %select_n3A_83 : vector<16xf32>
        %select_n3A_96 = arith.select %gt3A_95, %get3A_92, %select_n3A_83 : vector<16xi1>, vector<16xf32>
        %select_n3A_97 = arith.select %gt3A_94, %select_n3A_86, %select_n3A_96 : vector<16xi1>, vector<16xf32>
        %select_n3A_98 = arith.select %gt3A_95, %broadcast_in_dim3A_93, %select_n3A_85 : vector<16xi1>, vector<16xi32>
        %select_n3A_99 = arith.select %gt3A_94, %select_n3A_87, %select_n3A_98 : vector<16xi1>, vector<16xi32>
        %select_n3A_100 = arith.select %gt3A_94, %get3A_92, %select_n3A_86 : vector<16xi1>, vector<16xf32>
        %select_n3A_101 = arith.select %gt3A_94, %broadcast_in_dim3A_93, %select_n3A_87 : vector<16xi1>, vector<16xi32>
        %scan3A_102 = arith.constant 2 : i32
        %scan3A_103 = arith.addi %scan3A_74, %scan3A_102 : i32
        %get3A_104 = arith.index_cast %scan3A_103 : i32 to index
        %get3A_105 = arith.index_cast %mul3A_38 : i32 to index
        %get3A_106 = tpu.vector_load %arg5[%get3A_104, %get3A_105] {strides = array<i32>} : memref<64x512xf32, #tpu.memory_space<vmem>>, vector<16xf32>,
        %broadcast_in_dim3A_107 = vector.broadcast %scan3A_103 : i32 to vector<16xi32>
        %gt3A_108 = arith.cmpf ogt, %get3A_106, %select_n3A_100 : vector<16xf32>
        %gt3A_109 = arith.cmpf ogt, %get3A_106, %select_n3A_97 : vector<16xf32>
        %select_n3A_110 = arith.select %gt3A_109, %get3A_106, %select_n3A_97 : vector<16xi1>, vector<16xf32>
        %select_n3A_111 = arith.select %gt3A_108, %select_n3A_100, %select_n3A_110 : vector<16xi1>, vector<16xf32>
        %select_n3A_112 = arith.select %gt3A_109, %broadcast_in_dim3A_107, %select_n3A_99 : vector<16xi1>, vector<16xi32>
        %select_n3A_113 = arith.select %gt3A_108, %select_n3A_101, %select_n3A_112 : vector<16xi1>, vector<16xi32>
        %select_n3A_114 = arith.select %gt3A_108, %get3A_106, %select_n3A_100 : vector<16xi1>, vector<16xf32>
        %select_n3A_115 = arith.select %gt3A_108, %broadcast_in_dim3A_107, %select_n3A_101 : vector<16xi1>, vector<16xi32>
        %scan3A_116 = arith.constant 3 : i32
        %scan3A_117 = arith.addi %scan3A_74, %scan3A_116 : i32
        %get3A_118 = arith.index_cast %scan3A_117 : i32 to index
        %get3A_119 = arith.index_cast %mul3A_38 : i32 to index
        %get3A_120 = tpu.vector_load %arg5[%get3A_118, %get3A_119] {strides = array<i32>} : memref<64x512xf32, #tpu.memory_space<vmem>>, vector<16xf32>,
        %broadcast_in_dim3A_121 = vector.broadcast %scan3A_117 : i32 to vector<16xi32>
        %gt3A_122 = arith.cmpf ogt, %get3A_120, %select_n3A_114 : vector<16xf32>
        %gt3A_123 = arith.cmpf ogt, %get3A_120, %select_n3A_111 : vector<16xf32>
        %select_n3A_124 = arith.select %gt3A_123, %get3A_120, %select_n3A_111 : vector<16xi1>, vector<16xf32>
        %select_n3A_125 = arith.select %gt3A_122, %select_n3A_114, %select_n3A_124 : vector<16xi1>, vector<16xf32>
        %select_n3A_126 = arith.select %gt3A_123, %broadcast_in_dim3A_121, %select_n3A_113 : vector<16xi1>, vector<16xi32>
        %select_n3A_127 = arith.select %gt3A_122, %select_n3A_115, %select_n3A_126 : vector<16xi1>, vector<16xi32>
        %select_n3A_128 = arith.select %gt3A_122, %get3A_120, %select_n3A_114 : vector<16xi1>, vector<16xf32>
        %select_n3A_129 = arith.select %gt3A_122, %broadcast_in_dim3A_121, %select_n3A_115 : vector<16xi1>, vector<16xi32>
        scf.yield %select_n3A_128, %select_n3A_129, %select_n3A_125, %select_n3A_127 : vector<16xf32>, vector<16xi32>, vector<16xf32>, vector<16xi32>
      }
      %scan3A_51 = arith.constant 64 : i32
      %sub3A = arith.subf %scan3A_50#2, %scan3A_50#0 : vector<16xf32>
      %exp3A = math.exp %sub3A : vector<16xf32>
      %add3A_52 = arith.constant 1.000000e+00 : f32
      %add3A_53 = vector.broadcast %add3A_52 : f32 to vector<16xf32>
      %add3A_54 = arith.addf %add3A_53, %exp3A : vector<16xf32>
      %div3A = arith.constant 1.000000e+00 : f32
      %div3A_55 = vector.broadcast %div3A : f32 to vector<16xf32>
      %div3A_56 = arith.divf %div3A_55, %add3A_54 : vector<16xf32>
      %div3A_57 = arith.divf %exp3A, %add3A_54 : vector<16xf32>
      %add3A_58 = vector.broadcast %mul3A_38 : i32 to vector<16xi32>
      %add3A_59 = arith.addi %add3A_58, %iota3A : vector<16xi32>
      %mul3A_60 = arith.constant 64 : i32
      %mul3A_61 = vector.broadcast %mul3A_60 : i32 to vector<16xi32>
      %mul3A_62 = arith.muli %add3A_59, %mul3A_61 : vector<16xi32>
      %add3A_63 = arith.addi %mul3A_62, %scan3A_50#1 : vector<16xi32>
      tpu.vector_store_idx %arg6[%add3A_63], %div3A_56 : memref<32768xf32, #tpu.memory_space<vmem>>[vector<16xi32>], vector<16xf32>,
      %add3A_64 = arith.addi %mul3A_62, %scan3A_50#3 : vector<16xi32>
      tpu.vector_store_idx %arg6[%add3A_64], %div3A_57 : memref<32768xf32, #tpu.memory_space<vmem>>[vector<16xi32>], vector<16xf32>,
      %add3A_65 = vector.broadcast %mul3A_38 : i32 to vector<16xi32>
      %add3A_66 = arith.addi %add3A_65, %iota3A : vector<16xi32>
      %mul3A_67 = arith.constant 2 : i32
      %mul3A_68 = vector.broadcast %mul3A_67 : i32 to vector<16xi32>
      %mul3A_69 = arith.muli %add3A_66, %mul3A_68 : vector<16xi32>
      tpu.vector_store_idx %arg7[%mul3A_69], %scan3A_50#1 : memref<1024xi32, #tpu.memory_space<vmem>>[vector<16xi32>], vector<16xi32>,
      %add3A_70 = arith.constant 1 : i32
      %add3A_71 = vector.broadcast %add3A_70 : i32 to vector<16xi32>
      %add3A_72 = arith.addi %mul3A_69, %add3A_71 : vector<16xi32>
      tpu.vector_store_idx %arg7[%add3A_72], %scan3A_50#3 : memref<1024xi32, #tpu.memory_space<vmem>>[vector<16xi32>], vector<16xi32>,
      %scan3A_73 = arith.constant 0 : i32
      scf.yield %scan3A_73 : i32
    }
    %scan3A_15 = arith.constant 32 : i32
    %mul3A_16 = arith.constant 64 : i32
    %mul3A_17 = arith.muli %add3A_9, %mul3A_16 : i32
    "tpu.region"() ({
      %run_scoped3A = tpu.sem_alloc : memref<!tpu.dma_semaphore, #tpu.memory_space<semaphore_mem>>
      %dma_start3A = tpu.memref_slice %arg3[%mul3A_17] : memref<2097152xf32, #tpu.memory_space<hbm>> -> memref<32768xf32, #tpu.memory_space<hbm>>
      %dma_start3A_35 = tpu.memref_slice %arg3[%mul3A_17] : memref<2097152xf32, #tpu.memory_space<hbm>> -> memref<32768xf32, #tpu.memory_space<hbm>>
      tpu.enqueue_dma source(%arg6 : memref<32768xf32, #tpu.memory_space<vmem>>) target(%dma_start3A_35 : memref<32768xf32, #tpu.memory_space<hbm>>) target_semaphore(%run_scoped3A : memref<!tpu.dma_semaphore, #tpu.memory_space<semaphore_mem>>)
      %dma_wait3A = tpu.memref_slice %arg3[%mul3A_17] : memref<2097152xf32, #tpu.memory_space<hbm>> -> memref<32768xf32, #tpu.memory_space<hbm>>
      %dma_wait3A_36 = tpu.memref_slice %arg3[%mul3A_17] : memref<2097152xf32, #tpu.memory_space<hbm>> -> memref<32768xf32, #tpu.memory_space<hbm>>
      tpu.wait_dma2 semaphore(%run_scoped3A : memref<!tpu.dma_semaphore, #tpu.memory_space<semaphore_mem>>) src(%arg6 : memref<32768xf32, #tpu.memory_space<vmem>>) dst(%dma_wait3A_36 : memref<32768xf32, #tpu.memory_space<hbm>>)
      tpu.yield
    }) : () -> ()
    %mul3A_18 = arith.constant 2 : i32
    %mul3A_19 = arith.muli %add3A_9, %mul3A_18 : i32
    "tpu.region"() ({
      %run_scoped3A = tpu.sem_alloc : memref<!tpu.dma_semaphore, #tpu.memory_space<semaphore_mem>>
      %dma_start3A = tpu.memref_slice %arg4[%mul3A_19] : memref<65536xi32, #tpu.memory_space<hbm>> -> memref<1024xi32, #tpu.memory_space<hbm>>
      %dma_start3A_35 = tpu.memref_slice %arg4[%mul3A_19] : memref<65536xi32, #tpu.memory_space<hbm>> -> memref<1024xi32, #tpu.memory_space<hbm>>
      tpu.enqueue_dma source(%arg7 : memref<1024xi32, #tpu.memory_space<vmem>>) target(%dma_start3A_35 : memref<1024xi32, #tpu.memory_space<hbm>>) target_semaphore(%run_scoped3A : memref<!tpu.dma_semaphore, #tpu.memory_space<semaphore_mem>>)
      %dma_wait3A = tpu.memref_slice %arg4[%mul3A_19] : memref<65536xi32, #tpu.memory_space<hbm>> -> memref<1024xi32, #tpu.memory_space<hbm>>
      %dma_wait3A_36 = tpu.memref_slice %arg4[%mul3A_19] : memref<65536xi32, #tpu.memory_space<hbm>> -> memref<1024xi32, #tpu.memory_space<hbm>>
      tpu.wait_dma2 semaphore(%run_scoped3A : memref<!tpu.dma_semaphore, #tpu.memory_space<semaphore_mem>>) src(%arg7 : memref<1024xi32, #tpu.memory_space<vmem>>) dst(%dma_wait3A_36 : memref<1024xi32, #tpu.memory_space<hbm>>)
      tpu.yield
    }) : () -> ()
    %mul3A_20 = arith.constant 1024 : i32
    %mul3A_21 = arith.muli %add3A, %mul3A_20 : i32
    %add3A_22 = arith.constant 512 : i32
    %add3A_23 = arith.addi %mul3A_21, %add3A_22 : i32
    "tpu.region"() ({
      %run_scoped3A = tpu.sem_alloc : memref<!tpu.dma_semaphore, #tpu.memory_space<semaphore_mem>>
      %dma_start3A = arith.constant 0 : i32
      %dma_start3A_35 = tpu.memref_slice %arg2[%dma_start3A, %add3A_23] : memref<64x32768xf32, #tpu.memory_space<hbm>> -> memref<64x512xf32, #tpu.memory_space<hbm>>
      %dma_start3A_36 = arith.constant 0 : i32
      %dma_start3A_37 = tpu.memref_slice %arg2[%dma_start3A_36, %add3A_23] : memref<64x32768xf32, #tpu.memory_space<hbm>> -> memref<64x512xf32, #tpu.memory_space<hbm>>
      tpu.enqueue_dma source(%dma_start3A_37 : memref<64x512xf32, #tpu.memory_space<hbm>>) target(%arg5 : memref<64x512xf32, #tpu.memory_space<vmem>>) target_semaphore(%run_scoped3A : memref<!tpu.dma_semaphore, #tpu.memory_space<semaphore_mem>>)
      %dma_wait3A = arith.constant 0 : i32
      %dma_wait3A_38 = tpu.memref_slice %arg2[%dma_wait3A, %add3A_23] : memref<64x32768xf32, #tpu.memory_space<hbm>> -> memref<64x512xf32, #tpu.memory_space<hbm>>
      %dma_wait3A_39 = arith.constant 0 : i32
      %dma_wait3A_40 = tpu.memref_slice %arg2[%dma_wait3A_39, %add3A_23] : memref<64x32768xf32, #tpu.memory_space<hbm>> -> memref<64x512xf32, #tpu.memory_space<hbm>>
      tpu.wait_dma2 semaphore(%run_scoped3A : memref<!tpu.dma_semaphore, #tpu.memory_space<semaphore_mem>>) src(%dma_wait3A_40 : memref<64x512xf32, #tpu.memory_space<hbm>>) dst(%arg5 : memref<64x512xf32, #tpu.memory_space<vmem>>)
      tpu.yield
    }) : () -> ()
    %scan3A_24 = arith.constant 0 : i32
    %scan3A_25 = arith.constant 0 : i32
    %scan3A_26 = arith.constant 32 : i32
    %scan3A_27 = arith.addi %scan3A_25, %scan3A_26 : i32
    %scan3A_28 = arith.constant 1 : i32
    %scan3A_29 = scf.for %scan3A_35 = %scan3A_25 to %scan3A_27 step %scan3A_28 iter_args(%scan3A_36 = %scan3A_24) -> (i32)  : i32 {
      %mul3A_37 = arith.constant 16 : i32
      %mul3A_38 = arith.muli %scan3A_35, %mul3A_37 : i32
      %scan3A_39 = arith.constant 0 : i32
      %scan3A_40 = arith.constant 0 : i32
      %scan3A_41 = arith.constant 64 : i32
      %scan3A_42 = arith.addi %scan3A_40, %scan3A_41 : i32
      %scan3A_43 = arith.constant 8 : i32
      %scan3A_44 = scf.for %scan3A_74 = %scan3A_40 to %scan3A_42 step %scan3A_43 iter_args(%scan3A_75 = %scan3A_39) -> (i32)  : i32 {
        %mul3A_76 = arith.constant 64 : i32
        %mul3A_77 = arith.muli %mul3A_38, %mul3A_76 : i32
        %mul3A_78 = arith.constant 16 : i32
        %mul3A_79 = arith.muli %scan3A_74, %mul3A_78 : i32
        %add3A_80 = arith.addi %mul3A_77, %mul3A_79 : i32
        %swap3A = arith.index_cast %add3A_80 : i32 to index
        %swap3A_81 = tpu.vector_load %arg6[%swap3A] {strides = array<i32>} : memref<32768xf32, #tpu.memory_space<vmem>>, vector<16xf32>,
        tpu.vector_store %arg6[%swap3A], %broadcast_in_dim3A_1 {strides = array<i32>} : memref<32768xf32, #tpu.memory_space<vmem>>, vector<16xf32>,
        %scan3A_82 = arith.constant 0 : i32
        %scan3A_83 = arith.constant 1 : i32
        %scan3A_84 = arith.addi %scan3A_74, %scan3A_83 : i32
        %mul3A_85 = arith.constant 64 : i32
        %mul3A_86 = arith.muli %mul3A_38, %mul3A_85 : i32
        %mul3A_87 = arith.constant 16 : i32
        %mul3A_88 = arith.muli %scan3A_84, %mul3A_87 : i32
        %add3A_89 = arith.addi %mul3A_86, %mul3A_88 : i32
        %swap3A_90 = arith.index_cast %add3A_89 : i32 to index
        %swap3A_91 = tpu.vector_load %arg6[%swap3A_90] {strides = array<i32>} : memref<32768xf32, #tpu.memory_space<vmem>>, vector<16xf32>,
        tpu.vector_store %arg6[%swap3A_90], %broadcast_in_dim3A_1 {strides = array<i32>} : memref<32768xf32, #tpu.memory_space<vmem>>, vector<16xf32>,
        %scan3A_92 = arith.constant 0 : i32
        %scan3A_93 = arith.constant 2 : i32
        %scan3A_94 = arith.addi %scan3A_74, %scan3A_93 : i32
        %mul3A_95 = arith.constant 64 : i32
        %mul3A_96 = arith.muli %mul3A_38, %mul3A_95 : i32
        %mul3A_97 = arith.constant 16 : i32
        %mul3A_98 = arith.muli %scan3A_94, %mul3A_97 : i32
        %add3A_99 = arith.addi %mul3A_96, %mul3A_98 : i32
        %swap3A_100 = arith.index_cast %add3A_99 : i32 to index
        %swap3A_101 = tpu.vector_load %arg6[%swap3A_100] {strides = array<i32>} : memref<32768xf32, #tpu.memory_space<vmem>>, vector<16xf32>,
        tpu.vector_store %arg6[%swap3A_100], %broadcast_in_dim3A_1 {strides = array<i32>} : memref<32768xf32, #tpu.memory_space<vmem>>, vector<16xf32>,
        %scan3A_102 = arith.constant 0 : i32
        %scan3A_103 = arith.constant 3 : i32
        %scan3A_104 = arith.addi %scan3A_74, %scan3A_103 : i32
        %mul3A_105 = arith.constant 64 : i32
        %mul3A_106 = arith.muli %mul3A_38, %mul3A_105 : i32
        %mul3A_107 = arith.constant 16 : i32
        %mul3A_108 = arith.muli %scan3A_104, %mul3A_107 : i32
        %add3A_109 = arith.addi %mul3A_106, %mul3A_108 : i32
        %swap3A_110 = arith.index_cast %add3A_109 : i32 to index
        %swap3A_111 = tpu.vector_load %arg6[%swap3A_110] {strides = array<i32>} : memref<32768xf32, #tpu.memory_space<vmem>>, vector<16xf32>,
        tpu.vector_store %arg6[%swap3A_110], %broadcast_in_dim3A_1 {strides = array<i32>} : memref<32768xf32, #tpu.memory_space<vmem>>, vector<16xf32>,
        %scan3A_112 = arith.constant 0 : i32
        %scan3A_113 = arith.constant 4 : i32
        %scan3A_114 = arith.addi %scan3A_74, %scan3A_113 : i32
        %mul3A_115 = arith.constant 64 : i32
        %mul3A_116 = arith.muli %mul3A_38, %mul3A_115 : i32
        %mul3A_117 = arith.constant 16 : i32
        %mul3A_118 = arith.muli %scan3A_114, %mul3A_117 : i32
        %add3A_119 = arith.addi %mul3A_116, %mul3A_118 : i32
        %swap3A_120 = arith.index_cast %add3A_119 : i32 to index
        %swap3A_121 = tpu.vector_load %arg6[%swap3A_120] {strides = array<i32>} : memref<32768xf32, #tpu.memory_space<vmem>>, vector<16xf32>,
        tpu.vector_store %arg6[%swap3A_120], %broadcast_in_dim3A_1 {strides = array<i32>} : memref<32768xf32, #tpu.memory_space<vmem>>, vector<16xf32>,
        %scan3A_122 = arith.constant 0 : i32
        %scan3A_123 = arith.constant 5 : i32
        %scan3A_124 = arith.addi %scan3A_74, %scan3A_123 : i32
        %mul3A_125 = arith.constant 64 : i32
        %mul3A_126 = arith.muli %mul3A_38, %mul3A_125 : i32
        %mul3A_127 = arith.constant 16 : i32
        %mul3A_128 = arith.muli %scan3A_124, %mul3A_127 : i32
        %add3A_129 = arith.addi %mul3A_126, %mul3A_128 : i32
        %swap3A_130 = arith.index_cast %add3A_129 : i32 to index
        %swap3A_131 = tpu.vector_load %arg6[%swap3A_130] {strides = array<i32>} : memref<32768xf32, #tpu.memory_space<vmem>>, vector<16xf32>,
        tpu.vector_store %arg6[%swap3A_130], %broadcast_in_dim3A_1 {strides = array<i32>} : memref<32768xf32, #tpu.memory_space<vmem>>, vector<16xf32>,
        %scan3A_132 = arith.constant 0 : i32
        %scan3A_133 = arith.constant 6 : i32
        %scan3A_134 = arith.addi %scan3A_74, %scan3A_133 : i32
        %mul3A_135 = arith.constant 64 : i32
        %mul3A_136 = arith.muli %mul3A_38, %mul3A_135 : i32
        %mul3A_137 = arith.constant 16 : i32
        %mul3A_138 = arith.muli %scan3A_134, %mul3A_137 : i32
        %add3A_139 = arith.addi %mul3A_136, %mul3A_138 : i32
        %swap3A_140 = arith.index_cast %add3A_139 : i32 to index
        %swap3A_141 = tpu.vector_load %arg6[%swap3A_140] {strides = array<i32>} : memref<32768xf32, #tpu.memory_space<vmem>>, vector<16xf32>,
        tpu.vector_store %arg6[%swap3A_140], %broadcast_in_dim3A_1 {strides = array<i32>} : memref<32768xf32, #tpu.memory_space<vmem>>, vector<16xf32>,
        %scan3A_142 = arith.constant 0 : i32
        %scan3A_143 = arith.constant 7 : i32
        %scan3A_144 = arith.addi %scan3A_74, %scan3A_143 : i32
        %mul3A_145 = arith.constant 64 : i32
        %mul3A_146 = arith.muli %mul3A_38, %mul3A_145 : i32
        %mul3A_147 = arith.constant 16 : i32
        %mul3A_148 = arith.muli %scan3A_144, %mul3A_147 : i32
        %add3A_149 = arith.addi %mul3A_146, %mul3A_148 : i32
        %swap3A_150 = arith.index_cast %add3A_149 : i32 to index
        %swap3A_151 = tpu.vector_load %arg6[%swap3A_150] {strides = array<i32>} : memref<32768xf32, #tpu.memory_space<vmem>>, vector<16xf32>,
        tpu.vector_store %arg6[%swap3A_150], %broadcast_in_dim3A_1 {strides = array<i32>} : memref<32768xf32, #tpu.memory_space<vmem>>, vector<16xf32>,
        %scan3A_152 = arith.constant 0 : i32
        scf.yield %scan3A_152 : i32
      }
      %scan3A_45 = arith.constant 64 : i32
      %scan3A_46 = arith.constant 0 : i32
      %scan3A_47 = arith.constant 64 : i32
      %scan3A_48 = arith.addi %scan3A_46, %scan3A_47 : i32
      %scan3A_49 = arith.constant 4 : i32
      %scan3A_50:4 = scf.for %scan3A_74 = %scan3A_46 to %scan3A_48 step %scan3A_49 iter_args(%scan3A_75 = %broadcast_in_dim3A_3, %scan3A_76 = %broadcast_in_dim3A_5, %scan3A_77 = %broadcast_in_dim3A_3, %scan3A_78 = %broadcast_in_dim3A_5) -> (vector<16xf32>, vector<16xi32>, vector<16xf32>, vector<16xi32>)  : i32 {
        %get3A = arith.index_cast %scan3A_74 : i32 to index
        %get3A_79 = arith.index_cast %mul3A_38 : i32 to index
        %get3A_80 = tpu.vector_load %arg5[%get3A, %get3A_79] {strides = array<i32>} : memref<64x512xf32, #tpu.memory_space<vmem>>, vector<16xf32>,
        %broadcast_in_dim3A_81 = vector.broadcast %scan3A_74 : i32 to vector<16xi32>
        %gt3A = arith.cmpf ogt, %get3A_80, %scan3A_75 : vector<16xf32>
        %gt3A_82 = arith.cmpf ogt, %get3A_80, %scan3A_77 : vector<16xf32>
        %select_n3A = arith.select %gt3A_82, %get3A_80, %scan3A_77 : vector<16xi1>, vector<16xf32>
        %select_n3A_83 = arith.select %gt3A, %scan3A_75, %select_n3A : vector<16xi1>, vector<16xf32>
        %select_n3A_84 = arith.select %gt3A_82, %broadcast_in_dim3A_81, %scan3A_78 : vector<16xi1>, vector<16xi32>
        %select_n3A_85 = arith.select %gt3A, %scan3A_76, %select_n3A_84 : vector<16xi1>, vector<16xi32>
        %select_n3A_86 = arith.select %gt3A, %get3A_80, %scan3A_75 : vector<16xi1>, vector<16xf32>
        %select_n3A_87 = arith.select %gt3A, %broadcast_in_dim3A_81, %scan3A_76 : vector<16xi1>, vector<16xi32>
        %scan3A_88 = arith.constant 1 : i32
        %scan3A_89 = arith.addi %scan3A_74, %scan3A_88 : i32
        %get3A_90 = arith.index_cast %scan3A_89 : i32 to index
        %get3A_91 = arith.index_cast %mul3A_38 : i32 to index
        %get3A_92 = tpu.vector_load %arg5[%get3A_90, %get3A_91] {strides = array<i32>} : memref<64x512xf32, #tpu.memory_space<vmem>>, vector<16xf32>,
        %broadcast_in_dim3A_93 = vector.broadcast %scan3A_89 : i32 to vector<16xi32>
        %gt3A_94 = arith.cmpf ogt, %get3A_92, %select_n3A_86 : vector<16xf32>
        %gt3A_95 = arith.cmpf ogt, %get3A_92, %select_n3A_83 : vector<16xf32>
        %select_n3A_96 = arith.select %gt3A_95, %get3A_92, %select_n3A_83 : vector<16xi1>, vector<16xf32>
        %select_n3A_97 = arith.select %gt3A_94, %select_n3A_86, %select_n3A_96 : vector<16xi1>, vector<16xf32>
        %select_n3A_98 = arith.select %gt3A_95, %broadcast_in_dim3A_93, %select_n3A_85 : vector<16xi1>, vector<16xi32>
        %select_n3A_99 = arith.select %gt3A_94, %select_n3A_87, %select_n3A_98 : vector<16xi1>, vector<16xi32>
        %select_n3A_100 = arith.select %gt3A_94, %get3A_92, %select_n3A_86 : vector<16xi1>, vector<16xf32>
        %select_n3A_101 = arith.select %gt3A_94, %broadcast_in_dim3A_93, %select_n3A_87 : vector<16xi1>, vector<16xi32>
        %scan3A_102 = arith.constant 2 : i32
        %scan3A_103 = arith.addi %scan3A_74, %scan3A_102 : i32
        %get3A_104 = arith.index_cast %scan3A_103 : i32 to index
        %get3A_105 = arith.index_cast %mul3A_38 : i32 to index
        %get3A_106 = tpu.vector_load %arg5[%get3A_104, %get3A_105] {strides = array<i32>} : memref<64x512xf32, #tpu.memory_space<vmem>>, vector<16xf32>,
        %broadcast_in_dim3A_107 = vector.broadcast %scan3A_103 : i32 to vector<16xi32>
        %gt3A_108 = arith.cmpf ogt, %get3A_106, %select_n3A_100 : vector<16xf32>
        %gt3A_109 = arith.cmpf ogt, %get3A_106, %select_n3A_97 : vector<16xf32>
        %select_n3A_110 = arith.select %gt3A_109, %get3A_106, %select_n3A_97 : vector<16xi1>, vector<16xf32>
        %select_n3A_111 = arith.select %gt3A_108, %select_n3A_100, %select_n3A_110 : vector<16xi1>, vector<16xf32>
        %select_n3A_112 = arith.select %gt3A_109, %broadcast_in_dim3A_107, %select_n3A_99 : vector<16xi1>, vector<16xi32>
        %select_n3A_113 = arith.select %gt3A_108, %select_n3A_101, %select_n3A_112 : vector<16xi1>, vector<16xi32>
        %select_n3A_114 = arith.select %gt3A_108, %get3A_106, %select_n3A_100 : vector<16xi1>, vector<16xf32>
        %select_n3A_115 = arith.select %gt3A_108, %broadcast_in_dim3A_107, %select_n3A_101 : vector<16xi1>, vector<16xi32>
        %scan3A_116 = arith.constant 3 : i32
        %scan3A_117 = arith.addi %scan3A_74, %scan3A_116 : i32
        %get3A_118 = arith.index_cast %scan3A_117 : i32 to index
        %get3A_119 = arith.index_cast %mul3A_38 : i32 to index
        %get3A_120 = tpu.vector_load %arg5[%get3A_118, %get3A_119] {strides = array<i32>} : memref<64x512xf32, #tpu.memory_space<vmem>>, vector<16xf32>,
        %broadcast_in_dim3A_121 = vector.broadcast %scan3A_117 : i32 to vector<16xi32>
        %gt3A_122 = arith.cmpf ogt, %get3A_120, %select_n3A_114 : vector<16xf32>
        %gt3A_123 = arith.cmpf ogt, %get3A_120, %select_n3A_111 : vector<16xf32>
        %select_n3A_124 = arith.select %gt3A_123, %get3A_120, %select_n3A_111 : vector<16xi1>, vector<16xf32>
        %select_n3A_125 = arith.select %gt3A_122, %select_n3A_114, %select_n3A_124 : vector<16xi1>, vector<16xf32>
        %select_n3A_126 = arith.select %gt3A_123, %broadcast_in_dim3A_121, %select_n3A_113 : vector<16xi1>, vector<16xi32>
        %select_n3A_127 = arith.select %gt3A_122, %select_n3A_115, %select_n3A_126 : vector<16xi1>, vector<16xi32>
        %select_n3A_128 = arith.select %gt3A_122, %get3A_120, %select_n3A_114 : vector<16xi1>, vector<16xf32>
        %select_n3A_129 = arith.select %gt3A_122, %broadcast_in_dim3A_121, %select_n3A_115 : vector<16xi1>, vector<16xi32>
        scf.yield %select_n3A_128, %select_n3A_129, %select_n3A_125, %select_n3A_127 : vector<16xf32>, vector<16xi32>, vector<16xf32>, vector<16xi32>
      }
      %scan3A_51 = arith.constant 64 : i32
      %sub3A = arith.subf %scan3A_50#2, %scan3A_50#0 : vector<16xf32>
      %exp3A = math.exp %sub3A : vector<16xf32>
      %add3A_52 = arith.constant 1.000000e+00 : f32
      %add3A_53 = vector.broadcast %add3A_52 : f32 to vector<16xf32>
      %add3A_54 = arith.addf %add3A_53, %exp3A : vector<16xf32>
      %div3A = arith.constant 1.000000e+00 : f32
      %div3A_55 = vector.broadcast %div3A : f32 to vector<16xf32>
      %div3A_56 = arith.divf %div3A_55, %add3A_54 : vector<16xf32>
      %div3A_57 = arith.divf %exp3A, %add3A_54 : vector<16xf32>
      %add3A_58 = vector.broadcast %mul3A_38 : i32 to vector<16xi32>
      %add3A_59 = arith.addi %add3A_58, %iota3A : vector<16xi32>
      %mul3A_60 = arith.constant 64 : i32
      %mul3A_61 = vector.broadcast %mul3A_60 : i32 to vector<16xi32>
      %mul3A_62 = arith.muli %add3A_59, %mul3A_61 : vector<16xi32>
      %add3A_63 = arith.addi %mul3A_62, %scan3A_50#1 : vector<16xi32>
      tpu.vector_store_idx %arg6[%add3A_63], %div3A_56 : memref<32768xf32, #tpu.memory_space<vmem>>[vector<16xi32>], vector<16xf32>,
      %add3A_64 = arith.addi %mul3A_62, %scan3A_50#3 : vector<16xi32>
      tpu.vector_store_idx %arg6[%add3A_64], %div3A_57 : memref<32768xf32, #tpu.memory_space<vmem>>[vector<16xi32>], vector<16xf32>,
      %add3A_65 = vector.broadcast %mul3A_38 : i32 to vector<16xi32>
      %add3A_66 = arith.addi %add3A_65, %iota3A : vector<16xi32>
      %mul3A_67 = arith.constant 2 : i32
      %mul3A_68 = vector.broadcast %mul3A_67 : i32 to vector<16xi32>
      %mul3A_69 = arith.muli %add3A_66, %mul3A_68 : vector<16xi32>
      tpu.vector_store_idx %arg7[%mul3A_69], %scan3A_50#1 : memref<1024xi32, #tpu.memory_space<vmem>>[vector<16xi32>], vector<16xi32>,
      %add3A_70 = arith.constant 1 : i32
      %add3A_71 = vector.broadcast %add3A_70 : i32 to vector<16xi32>
      %add3A_72 = arith.addi %mul3A_69, %add3A_71 : vector<16xi32>
      tpu.vector_store_idx %arg7[%add3A_72], %scan3A_50#3 : memref<1024xi32, #tpu.memory_space<vmem>>[vector<16xi32>], vector<16xi32>,
      %scan3A_73 = arith.constant 0 : i32
      scf.yield %scan3A_73 : i32
    }
    %scan3A_30 = arith.constant 32 : i32
    %mul3A_31 = arith.constant 64 : i32
    %mul3A_32 = arith.muli %add3A_23, %mul3A_31 : i32
    "tpu.region"() ({
      %run_scoped3A = tpu.sem_alloc : memref<!tpu.dma_semaphore, #tpu.memory_space<semaphore_mem>>
      %dma_start3A = tpu.memref_slice %arg3[%mul3A_32] : memref<2097152xf32, #tpu.memory_space<hbm>> -> memref<32768xf32, #tpu.memory_space<hbm>>
      %dma_start3A_35 = tpu.memref_slice %arg3[%mul3A_32] : memref<2097152xf32, #tpu.memory_space<hbm>> -> memref<32768xf32, #tpu.memory_space<hbm>>
      tpu.enqueue_dma source(%arg6 : memref<32768xf32, #tpu.memory_space<vmem>>) target(%dma_start3A_35 : memref<32768xf32, #tpu.memory_space<hbm>>) target_semaphore(%run_scoped3A : memref<!tpu.dma_semaphore, #tpu.memory_space<semaphore_mem>>)
      %dma_wait3A = tpu.memref_slice %arg3[%mul3A_32] : memref<2097152xf32, #tpu.memory_space<hbm>> -> memref<32768xf32, #tpu.memory_space<hbm>>
      %dma_wait3A_36 = tpu.memref_slice %arg3[%mul3A_32] : memref<2097152xf32, #tpu.memory_space<hbm>> -> memref<32768xf32, #tpu.memory_space<hbm>>
      tpu.wait_dma2 semaphore(%run_scoped3A : memref<!tpu.dma_semaphore, #tpu.memory_space<semaphore_mem>>) src(%arg6 : memref<32768xf32, #tpu.memory_space<vmem>>) dst(%dma_wait3A_36 : memref<32768xf32, #tpu.memory_space<hbm>>)
      tpu.yield
    }) : () -> ()
    %mul3A_33 = arith.constant 2 : i32
    %mul3A_34 = arith.muli %add3A_23, %mul3A_33 : i32
    "tpu.region"() ({
      %run_scoped3A = tpu.sem_alloc : memref<!tpu.dma_semaphore, #tpu.memory_space<semaphore_mem>>
      %dma_start3A = tpu.memref_slice %arg4[%mul3A_34] : memref<65536xi32, #tpu.memory_space<hbm>> -> memref<1024xi32, #tpu.memory_space<hbm>>
      %dma_start3A_35 = tpu.memref_slice %arg4[%mul3A_34] : memref<65536xi32, #tpu.memory_space<hbm>> -> memref<1024xi32, #tpu.memory_space<hbm>>
      tpu.enqueue_dma source(%arg7 : memref<1024xi32, #tpu.memory_space<vmem>>) target(%dma_start3A_35 : memref<1024xi32, #tpu.memory_space<hbm>>) target_semaphore(%run_scoped3A : memref<!tpu.dma_semaphore, #tpu.memory_space<semaphore_mem>>)
      %dma_wait3A = tpu.memref_slice %arg4[%mul3A_34] : memref<65536xi32, #tpu.memory_space<hbm>> -> memref<1024xi32, #tpu.memory_space<hbm>>
      %dma_wait3A_36 = tpu.memref_slice %arg4[%mul3A_34] : memref<65536xi32, #tpu.memory_space<hbm>> -> memref<1024xi32, #tpu.memory_space<hbm>>
      tpu.wait_dma2 semaphore(%run_scoped3A : memref<!tpu.dma_semaphore, #tpu.memory_space<semaphore_mem>>) src(%arg7 : memref<1024xi32, #tpu.memory_space<vmem>>) dst(%dma_wait3A_36 : memref<1024xi32, #tpu.memory_space<hbm>>)
      tpu.yield
    }) : () -> ()
    return
  }
}

module attributes {stable_mosaic.version = 14 : i64} {
  func.func @_score_body(%arg0: i32, %arg1: memref<512x768xf32, #tpu.memory_space<vmem>>, %arg2: memref<3072x768xf32, #tpu.memory_space<vmem>>, %arg3: memref<1x3072xf32, #tpu.memory_space<vmem>>, %arg4: memref<768x3072xf32, #tpu.memory_space<vmem>>, %arg5: memref<1x768xf32, #tpu.memory_space<vmem>>, %arg6: memref<1x768xf32, #tpu.memory_space<vmem>>, %arg7: memref<64x768xf32, #tpu.memory_space<vmem>>, %arg8: memref<64x512xf32, #tpu.memory_space<vmem>>, %arg9: memref<3xf32, #tpu.memory_space<smem>>, %arg10: memref<64x512xf32, #tpu.memory_space<vmem>>) attributes {dimension_semantics = [#tpu.dimension_semantics<arbitrary>], iteration_bounds = array<i64: 64>, scalar_prefetch = 0 : i64, scratch_operands = 0 : i64, tpu.core_type = #tpu.core_type<tc>, window_params = [{transform_indices = @transform_0, window_bounds = array<i64: 512, 768>}, {pipeline_mode = #tpu.pipeline_mode<synchronous>, transform_indices = @transform_1, window_bounds = array<i64: 3072, 768>}, {pipeline_mode = #tpu.pipeline_mode<synchronous>, transform_indices = @transform_2, window_bounds = array<i64: 1, 3072>}, {pipeline_mode = #tpu.pipeline_mode<synchronous>, transform_indices = @transform_3, window_bounds = array<i64: 768, 3072>}, {pipeline_mode = #tpu.pipeline_mode<synchronous>, transform_indices = @transform_4, window_bounds = array<i64: 1, 768>}, {pipeline_mode = #tpu.pipeline_mode<synchronous>, transform_indices = @transform_5, window_bounds = array<i64: 1, 768>}, {pipeline_mode = #tpu.pipeline_mode<synchronous>, transform_indices = @transform_6, window_bounds = array<i64: 64, 768>}, {transform_indices = @transform_7, window_bounds = array<i64: 64, 512>}, {transform_indices = @transform_8, window_bounds = array<i64: 3>}, {transform_indices = @transform_9, window_bounds = array<i64: 64, 512>}]} {
    %get3A = arith.constant 0 : index
    %get3A_0 = arith.constant 0 : index
    %get3A_1 = vector.load %arg1[%get3A, %get3A_0] : memref<512x768xf32, #tpu.memory_space<vmem>>, vector<512x768xf32>
    %get3A_2 = arith.constant 0 : index
    %get3A_3 = arith.constant 0 : index
    %get3A_4 = vector.load %arg2[%get3A_2, %get3A_3] : memref<3072x768xf32, #tpu.memory_space<vmem>>, vector<3072x768xf32>
    %dot_general3A = arith.constant dense<0.000000e+00> : vector<512x3072xf32>
    %dot_general3A_5 = tpu.matmul %get3A_1, %get3A_4, %dot_general3A {dimension_numbers = #tpu.dot_dimension_numbers<[1], [1], [0], [0], [0, 0, 1, 0], [], []>, transpose_lhs_hint = false} : vector<512x768xf32>, vector<3072x768xf32>, vector<512x3072xf32> -> vector<512x3072xf32>
    %get3A_6 = arith.constant 0 : index
    %get3A_7 = arith.constant 0 : index
    %get3A_8 = vector.load %arg3[%get3A_6, %get3A_7] : memref<1x3072xf32, #tpu.memory_space<vmem>>, vector<1x3072xf32>
    %add3A = vector.broadcast %get3A_8 : vector<1x3072xf32> to vector<512x3072xf32>
    %add3A_9 = arith.addf %dot_general3A_5, %add3A : vector<512x3072xf32>
    %mul3A = arith.constant 5.000000e-01 : f32
    %mul3A_10 = vector.broadcast %mul3A : f32 to vector<512x3072xf32>
    %mul3A_11 = arith.mulf %mul3A_10, %add3A_9 : vector<512x3072xf32>
    %mul3A_12 = arith.constant 0.707106769 : f32
    %mul3A_13 = vector.broadcast %mul3A_12 : f32 to vector<512x3072xf32>
    %mul3A_14 = arith.mulf %add3A_9, %mul3A_13 : vector<512x3072xf32>
    %erf3A = math.erf %mul3A_14 : vector<512x3072xf32>
    %add3A_15 = arith.constant 1.000000e+00 : f32
    %add3A_16 = vector.broadcast %add3A_15 : f32 to vector<512x3072xf32>
    %add3A_17 = arith.addf %add3A_16, %erf3A : vector<512x3072xf32>
    %mul3A_18 = arith.mulf %mul3A_11, %add3A_17 : vector<512x3072xf32>
    %get3A_19 = arith.constant 0 : index
    %get3A_20 = arith.constant 0 : index
    %get3A_21 = vector.load %arg4[%get3A_19, %get3A_20] : memref<768x3072xf32, #tpu.memory_space<vmem>>, vector<768x3072xf32>
    %dot_general3A_22 = arith.constant dense<0.000000e+00> : vector<512x768xf32>
    %dot_general3A_23 = tpu.matmul %mul3A_18, %get3A_21, %dot_general3A_22 {dimension_numbers = #tpu.dot_dimension_numbers<[1], [1], [0], [0], [0, 0, 1, 0], [], []>, transpose_lhs_hint = false} : vector<512x3072xf32>, vector<768x3072xf32>, vector<512x768xf32> -> vector<512x768xf32>
    %get3A_24 = arith.constant 0 : index
    %get3A_25 = arith.constant 0 : index
    %get3A_26 = vector.load %arg5[%get3A_24, %get3A_25] : memref<1x768xf32, #tpu.memory_space<vmem>>, vector<1x768xf32>
    %add3A_27 = vector.broadcast %get3A_26 : vector<1x768xf32> to vector<512x768xf32>
    %add3A_28 = arith.addf %dot_general3A_23, %add3A_27 : vector<512x768xf32>
    %get3A_29 = arith.constant 0 : index
    %get3A_30 = arith.constant 0 : index
    %get3A_31 = vector.load %arg7[%get3A_29, %get3A_30] : memref<64x768xf32, #tpu.memory_space<vmem>>, vector<64x768xf32>
    %dot_general3A_32 = arith.constant dense<0.000000e+00> : vector<64x512xf32>
    %dot_general3A_33 = tpu.matmul %get3A_31, %add3A_28, %dot_general3A_32 {dimension_numbers = #tpu.dot_dimension_numbers<[1], [1], [0], [0], [0, 0, 1, 0], [], []>, transpose_lhs_hint = false} : vector<64x768xf32>, vector<512x768xf32>, vector<64x512xf32> -> vector<64x512xf32>
    %get3A_34 = arith.constant 0 : index
    %get3A_35 = arith.constant 0 : index
    %get3A_36 = vector.load %arg6[%get3A_34, %get3A_35] : memref<1x768xf32, #tpu.memory_space<vmem>>, vector<1x768xf32>
    %dot_general3A_37 = arith.constant dense<0.000000e+00> : vector<1x512xf32>
    %dot_general3A_38 = tpu.matmul %get3A_36, %get3A_1, %dot_general3A_37 {dimension_numbers = #tpu.dot_dimension_numbers<[1], [1], [0], [0], [0, 0, 1, 0], [], []>, transpose_lhs_hint = false} : vector<1x768xf32>, vector<512x768xf32>, vector<1x512xf32> -> vector<1x512xf32>
    %get3A_39 = arith.constant 0 : index
    %get3A_40 = memref.load %arg9[%get3A_39] : memref<3xf32, #tpu.memory_space<smem>>
    %get3A_41 = arith.constant 1 : index
    %get3A_42 = memref.load %arg9[%get3A_41] : memref<3xf32, #tpu.memory_space<smem>>
    %get3A_43 = arith.constant 2 : index
    %get3A_44 = memref.load %arg9[%get3A_43] : memref<3xf32, #tpu.memory_space<smem>>
    %add3A_45 = vector.broadcast %get3A_44 : f32 to vector<1x512xf32>
    %add3A_46 = arith.addf %dot_general3A_38, %add3A_45 : vector<1x512xf32>
    %logistic3A = arith.negf %add3A_46 : vector<1x512xf32>
    %logistic3A_47 = math.exp %logistic3A : vector<1x512xf32>
    %logistic3A_48 = arith.constant 1.000000e+00 : f32
    %logistic3A_49 = vector.broadcast %logistic3A_48 : f32 to vector<1x512xf32>
    %logistic3A_50 = arith.addf %logistic3A_49, %logistic3A_47 : vector<1x512xf32>
    %logistic3A_51 = arith.divf %logistic3A_49, %logistic3A_50 : vector<1x512xf32>
    %mul3A_52 = vector.broadcast %get3A_40 : f32 to vector<1x512xf32>
    %mul3A_53 = arith.mulf %mul3A_52, %logistic3A_51 : vector<1x512xf32>
    %get3A_54 = arith.constant 0 : index
    %get3A_55 = arith.constant 0 : index
    %get3A_56 = vector.load %arg8[%get3A_54, %get3A_55] : memref<64x512xf32, #tpu.memory_space<vmem>>, vector<64x512xf32>
    %mul3A_57 = vector.broadcast %mul3A_53 : vector<1x512xf32> to vector<64x512xf32>
    %mul3A_58 = arith.mulf %mul3A_57, %get3A_56 : vector<64x512xf32>
    %add3A_59 = arith.addf %dot_general3A_33, %mul3A_58 : vector<64x512xf32>
    %mul3A_60 = vector.broadcast %get3A_42 : f32 to vector<64x512xf32>
    %mul3A_61 = arith.mulf %add3A_59, %mul3A_60 : vector<64x512xf32>
    %swap3A = arith.constant 0 : index
    %swap3A_62 = arith.constant 0 : index
    %swap3A_63 = vector.load %arg10[%swap3A, %swap3A_62] : memref<64x512xf32, #tpu.memory_space<vmem>>, vector<64x512xf32>
    tpu.vector_store %arg10[%swap3A, %swap3A_62], %mul3A_61 {strides = array<i32>} : memref<64x512xf32, #tpu.memory_space<vmem>>, vector<64x512xf32>,
    return
  }
  func.func @transform_0(%arg0: i32) -> (i32, i32) {
    %c0_i32 = arith.constant 0 : i32
    %c0_i32_0 = arith.constant 0 : i32
    return %arg0, %c0_i32 : i32, i32
  }
  func.func @transform_1(%arg0: i32) -> (i32, i32) {
    %c0_i32 = arith.constant 0 : i32
    %c0_i32_0 = arith.constant 0 : i32
    %c0_i32_1 = arith.constant 0 : i32
    return %c0_i32, %c0_i32_0 : i32, i32
  }
  func.func @transform_2(%arg0: i32) -> (i32, i32) {
    %c0_i32 = arith.constant 0 : i32
    %c0_i32_0 = arith.constant 0 : i32
    %c0_i32_1 = arith.constant 0 : i32
    return %c0_i32, %c0_i32_0 : i32, i32
  }
  func.func @transform_3(%arg0: i32) -> (i32, i32) {
    %c0_i32 = arith.constant 0 : i32
    %c0_i32_0 = arith.constant 0 : i32
    %c0_i32_1 = arith.constant 0 : i32
    return %c0_i32, %c0_i32_0 : i32, i32
  }
  func.func @transform_4(%arg0: i32) -> (i32, i32) {
    %c0_i32 = arith.constant 0 : i32
    %c0_i32_0 = arith.constant 0 : i32
    %c0_i32_1 = arith.constant 0 : i32
    return %c0_i32, %c0_i32_0 : i32, i32
  }
  func.func @transform_5(%arg0: i32) -> (i32, i32) {
    %c0_i32 = arith.constant 0 : i32
    %c0_i32_0 = arith.constant 0 : i32
    %c0_i32_1 = arith.constant 0 : i32
    return %c0_i32, %c0_i32_0 : i32, i32
  }
  func.func @transform_6(%arg0: i32) -> (i32, i32) {
    %c0_i32 = arith.constant 0 : i32
    %c0_i32_0 = arith.constant 0 : i32
    %c0_i32_1 = arith.constant 0 : i32
    return %c0_i32, %c0_i32_0 : i32, i32
  }
  func.func @transform_7(%arg0: i32) -> (i32, i32) {
    %c0_i32 = arith.constant 0 : i32
    %c0_i32_0 = arith.constant 0 : i32
    return %c0_i32, %arg0 : i32, i32
  }
  func.func @transform_8(%arg0: i32) -> i32 {
    %c0_i32 = arith.constant 0 : i32
    %c0_i32_0 = arith.constant 0 : i32
    return %c0_i32 : i32
  }
  func.func @transform_9(%arg0: i32) -> (i32, i32) {
    %c0_i32 = arith.constant 0 : i32
    %c0_i32_0 = arith.constant 0 : i32
    return %c0_i32, %arg0 : i32, i32
  }
}

</mosaic_0001>

<sc_bundles>
// kernel: kernel.4.cloned.1.call-start
scs
__scs_entry_jumppad:
0x0: {  	(pc) =	sbr.rel $0x88, $3  }
0x1: {  	(tag) =	ssettag $0x0;
	lr =	simm.s32 $0x1  }
0x2: {  	[smem:$0x3F98] =	sst lr;
	_ =	strace $0xD0000000  }
0x3: {  	_ = 	snop  }
0x4: {  	_ = 	snop  }
0x5: {  	_ = 	snop  }
0x6: {  	_ = 	snop  }
0x7: {  	_ = 	snop  }
__scs_overlays_trampoline_lowered:
0x8: {  	[smem:$0x3FA7] =	sst s0  }
0x9: {  	[smem:$0x3FA8] =	sst s1  }
0xa: {  	[smem:$0x3FA9] =	sst s2  }
0xb: {  	[smem:$0x3FAA] =	sst s3  }
0xc: {  	[smem:$0x3FAB] =	sst s4  }
0xd: {  	[smem:$0x3FAC] =	sst s5  }
0xe: {  	[smem:$0x3FAD] =	sst s6  }
0xf: {  	[smem:$0x3FAE] =	sst s7  }
0x10: {  	[smem:$0x3FAF] =	sst s8  }
0x11: {  	[smem:$0x3FB0] =	sst s9;
	s0 =	simm.s32 @!p0 $0x0  }
0x12: {  	s1 =	sld [smem:$0x3F96];
	s0 =	simm.s32 @p0 $0x1  }
0x13: {  	[smem:$0x3FB1] =	sst s0;
	s0 =	simm.s32 @!p1 $0x0  }
0x14: {  	s2 =	sld [smem:$0x3F95];
	s0 =	simm.s32 @p1 $0x1  }
0x15: {  	[smem:$0x3FB2] =	sst s0;
	s0 =	simm.s32 @!p2 $0x0  }
0x16: {  	s3 =	sld [smem:$0x3FDB];
	s0 =	simm.s32 @p2 $0x1  }
0x17: {  	s4 =	simm.s32 $0x1BF5;
	[smem:$0x3FB4] =	sst s0  }
0x18: {  	s0 =	sld [smem:$0x3F97];
	_ =	swait.ge [sflag:s4], $0x0  }
0x19: {  	s7 =	sld [smem:$0x3F98]  }
0x1a: {  	s8 =	sadd.s32 $0xFFFFE003, lr  }
0x1b: {  	s9 =	sadd.s32 $0xFFFFFEF7, lr;
	s5 =	simm.s32 $0xFFFFFFFF;
	p2 =	slt.u32 s8, $0xFFFFF086  }
0x1c: {  	p1 =	slt.u32 s9, $0xF7A;
	s5 =	simm.s32 @!p2 $0x0  }
0x1d: {  	s5 =	simm.s32 @p1 $0x1;
	p0 =	seq.s32 s7, s2  }
0x1e: {  	s7 =	smul.u32 @!p0 $0xF7A, s2;
	p2 =	seq.s32 @!p0 s5, $0x0  }
0x1f: {  	s9 =	smul.u32 $0xF7A, s1;
	s8 =	simm.s32 @!p0 $0x1BF5;
	p2 =	por !p2, p0  }
0x20: {  	[sflag:s8] =	ssyncset.s32 @!p0 $0xFFFFF086;
	s6 =	sadd.s32 @!p0 s3, s7;
	s7 =	simm.s32 @!p0 $0x108  }
0x21: {  	s3 =	sadd.s32 s3, s9;
	s6 =	sadd.s32 @!p0 $0x88, s6;
	s7 =	simm.s32 @p2 $0x1082  }
0x22: {  	[simem:s7], [sflag:s8] =	dma.local @!p0 [hbm:s6], $0xF7A  }
0x23: {  	s9 =	sor.u32 $0xD0000000, s2;
	s6 =	simm.s32 $0x108;
	_ =	swait.ge @!p0 [sflag:s8], $0x0  }
0x24: {  	s3 =	sadd.s32 $0x88, s3;
	s6 =	simm.s32 @!p1 $0x1082;
	[sflag:s4] =	ssyncset.s32 $0xFFFFF086  }
0x25: {  	[simem:s6], [sflag:s4] =	dma.local [hbm:s3], $0xF7A  }
0x26: {  	[smem:$0x3F98] =	sst s1;
	(tag) =	ssettag s2;
	_ =	strace s9  }
0x27: {  	s1 =	sld [smem:$0x3FA8]  }
0x28: {  	s2 =	sld [smem:$0x3FA9]  }
0x29: {  	s4 =	sld [smem:$0x3FAB]  }
0x2a: {  	p0 =	seq.s32 s5, $0x0;
	s5 =	sld [smem:$0x3FAC]  }
0x2b: {  	s6 =	sld [smem:$0x3FAD]  }
0x2c: {  	s7 =	sld [smem:$0x3FAE]  }
0x2d: {  	s3 =	simm.s32 $0x108;
	s8 =	sld [smem:$0x3FAF]  }
0x2e: {  	s3 =	simm.s32 @!p0 $0x1082;
	s9 =	sld [smem:$0x3FB0]  }
0x2f: {  	lr =	sadd.s32 s0, s3;
	s0 =	sld [smem:$0x3FA7]  }
0x30: {  	s3 =	sld [smem:$0x3FAA]  }
0x31: {  	[smem:$0x3FB3] =	sst s10  }
0x32: {  	s10 =	sld [smem:$0x3FB1];
	_ =	sdelay $0x3  }
0x33: {  	p0 =	seq.s32 s10, $0x1;
	s10 =	sld [smem:$0x3FB3];
	_ =	sdelay $0x3  }
0x34: {  	[smem:$0x3FB3] =	sst s10  }
0x35: {  	s10 =	sld [smem:$0x3FB2];
	_ =	sdelay $0x3  }
0x36: {  	p1 =	seq.s32 s10, $0x1;
	s10 =	sld [smem:$0x3FB3];
	_ =	sdelay $0x3  }
0x37: {  	[smem:$0x3FB3] =	sst s10  }
0x38: {  	s10 =	sld [smem:$0x3FB4]  }
0x39: {  	_ = 	snop;
	(pc) =	sbr.ind lr, $3  }
0x3a: {  	_ = 	snop  }
0x3b: {  	_ = 	snop  }
0x3c: {  	p2 =	seq.s32 s10, $0x1;
	s10 =	sld [smem:$0x3FB3]  }
0x3d: {  	_ =	shalt  }
0x3e: {  	_ =	shalt  }
0x3f: {  	_ =	shalt  }
0x40: {  	_ =	shalt  }
0x41: {  	_ =	shalt  }
0x42: {  	_ =	shalt  }
0x43: {  	_ =	shalt  }
0x44: {  	_ =	shalt  }
0x45: {  	_ =	shalt  }
0x46: {  	_ =	shalt  }
0x47: {  	_ =	shalt  }
0x48: {  	_ =	shalt  }
0x49: {  	_ =	shalt  }
0x4a: {  	_ =	shalt  }
0x4b: {  	_ =	shalt  }
0x4c: {  	_ =	shalt  }
0x4d: {  	_ =	shalt  }
0x4e: {  	_ =	shalt  }
0x4f: {  	_ =	shalt  }
0x50: {  	_ =	shalt  }
0x51: {  	_ =	shalt  }
0x52: {  	_ =	shalt  }
0x53: {  	_ =	shalt  }
0x54: {  	_ =	shalt  }
0x55: {  	_ =	shalt  }
0x56: {  	_ =	shalt  }
0x57: {  	_ =	shalt  }
0x58: {  	_ =	shalt  }
0x59: {  	_ =	shalt  }
0x5a: {  	_ =	shalt  }
0x5b: {  	_ =	shalt  }
0x5c: {  	_ =	shalt  }
0x5d: {  	_ =	shalt  }
0x5e: {  	_ =	shalt  }
0x5f: {  	_ =	shalt  }
0x60: {  	_ =	shalt  }
0x61: {  	_ =	shalt  }
0x62: {  	_ =	shalt  }
0x63: {  	_ =	shalt  }
0x64: {  	_ =	shalt  }
0x65: {  	_ =	shalt  }
0x66: {  	_ =	shalt  }
0x67: {  	_ =	shalt  }
0x68: {  	_ =	shalt  }
0x69: {  	_ =	shalt  }
0x6a: {  	_ =	shalt  }
0x6b: {  	_ =	shalt  }
0x6c: {  	_ =	shalt  }
0x6d: {  	_ =	shalt  }
0x6e: {  	_ =	shalt  }
0x6f: {  	_ =	shalt  }
0x70: {  	_ =	shalt  }
0x71: {  	_ =	shalt  }
0x72: {  	_ =	shalt  }
0x73: {  	_ =	shalt  }
0x74: {  	_ =	shalt  }
0x75: {  	_ =	shalt  }
0x76: {  	_ =	shalt  }
0x77: {  	_ =	shalt  }
0x78: {  	_ =	shalt  }
0x79: {  	_ =	shalt  }
0x7a: {  	_ =	shalt  }
0x7b: {  	_ =	shalt  }
0x7c: {  	_ =	shalt  }
0x7d: {  	_ =	shalt  }
0x7e: {  	_ =	shalt  }
0x7f: {  	_ =	shalt  }
0x80: {  	_ =	shalt  }
0x81: {  	_ =	shalt  }
0x82: {  	_ =	shalt  }
0x83: {  	_ =	shalt  }
0x84: {  	_ =	shalt  }
0x85: {  	_ =	shalt  }
0x86: {  	_ =	shalt  }
0x87: {  	_ =	shalt  }
.Lfunc_end0:
.L_simem_size_0:
called_computation_lowered:
.L_overlay_start_0:
0x88: {  	s2 =	sld [smem:$0x3FD9]  }
0x89: {  	s3 =	sld [smem:$0x3FFE];
	_ =	sdelay $0x1  }
0x8a: {  	s1 =	srdreg.scid  }
0x8b: {  	s0 =	sand.u32 $0x1, s1  }
0x8c: {  	s14 =	sshll.u32 s0, $0xA;
	s2 =	sadd.s32 s3, s2  }
0x8d: {  	s2 =	sadd.s32 s2, s14  }
0x8e: {  	[smem:$0x3FBF] =	sst s2  }
0x8f: {  	_ = 	snop  }
0x90: {  	s2 =	sld [smem:$0x3FD0];
	_ =	sdelay $0x2  }
0x91: {  	s15 =	simm.s32 $0xA;
	s4 =	simm.s32 $0x10  }
0x92: {  	[smem:s4], [sflag:s15] =	dma.local [hbm:s2], $0x1  }
0x93: {  	_ =	swait.eq [sflag:s15], $0x1  }
0x94: {  	[sflag:s15] =	ssyncset.done $0x0  }
0x95: {  	s16 =	sld [smem:$0x10];
	[sflag:s15] =	ssyncadd.s32 $0xFFFFFFFF  }
0x96: {  	s17 =	sld [smem:$0x11];
	(tm) =	ssettm $0x1  }
0x97: {  	s18 =	sld [smem:$0x3FFB];
	_ =	sdelay $0x3  }
0x98: {  	_ =	strace s18  }
0x99: {  	s4 =	sld [smem:$0x3FFC];
	_ =	sdelay $0x3  }
0x9a: {  	_ =	strace s4  }
0x9b: {  	s4 =	sld [smem:$0x3FFD];
	_ =	sdelay $0x3  }
0x9c: {  	_ =	strace s4  }
0x9d: {  	_ =	strace $0x8FFFFFFF  }
0x9e: {  	s19 =	sld [smem:$0x3FDB];
	_ =	sdelay $0x1  }
0x9f: {  	s5 =	simm.s32 $_scs_section_size  }
0xa0: {  	s6 =	simm.s32 $_size__tile_overlayer_lowered;
	s7 =	simm.s32 $_tile_overlayer_lowered  }
0xa1: {  	s22 =	simm.s32 $0x1BFF;
	s21 =	sshll.u32 s7, $0x1;
	s4 =	sadd.s32 s5, s19  }
0xa2: {  	s8 =	simm.s32 $0x0;
	s20 =	sshll.u32 s6, $0x1;
	s6 =	sadd.s32 s21, s4  }
0xa3: {  	[timem:s8], [sflag:s22] =	dma.local [hbm:s6], s20  }
0xa4: {  	_ =	swait.ge [sflag:s22], s20  }
0xa5: {  	s5 =	ssub.s32 $0x0, s20;
	[sflag:s22] =	ssyncset.done $0x0  }
0xa6: {  	[sflag:s22] =	ssyncadd.s32 s5;
	_ =	sdelay $0x1  }
0xa7: {  	s23 =	simm.s32 $0x1B8B  }
0xa8: {  	_ =	swait.ge [sflag:s23], $0x1  }
0xa9: {  	[sflag:s23] =	ssyncset.done $0x0  }
0xaa: {  	s25 =	simm.s32 $0x1B8E;
	s24 =	sld [smem:$0x3FFE];
	[sflag:s23] =	ssyncadd.s32 $0xFFFFFFFF  }
0xab: {  	s26 =	simm.s32 $execute0_lowered;
	[smem:$0x3FD2] =	sst s25  }
0xac: {  	s6 =	sshll.u32 s26, $0x1;
	_ =	strace $0x80000046;
	[dreg:$0x1] =	wrdreg $0xFFFFFFFF  }
0xad: {  	s28 =	simm.s32 $_size_execute0_lowered;
	s4 =	sadd.s32 s4, s6;
	[dreg:$0x0] =	wrdreg $0x0  }
0xae: {  	s6 =	sshll.u32 s28, $0x1;
	[dreg:$0x2] =	wrdreg s4  }
0xaf: {  	[dreg:$0x3] =	wrdreg s6  }
0xb0: {  	[dreg:$0x4] =	wrdreg $0xC0  }
0xb1: {  	_ =	task [dreg:s8], $0x5FFFF  }
0xb2: {  	[dreg:$0x1] =	wrdreg $0xFFFFFFFF  }
0xb3: {  	[dreg:$0x0] =	wrdreg $0x60  }
0xb4: {  	[dreg:$0x2] =	wrdreg s16  }
0xb5: {  	[dreg:$0x3] =	wrdreg s24  }
0xb6: {  	[dreg:$0x4] =	wrdreg s17  }
0xb7: {  	[dreg:$0x5] =	wrdreg $0x9  }
0xb8: {  	_ =	task.clear_ibuf [dreg:s8], $0x6FFFF;
	_ =	strace $0x90000046  }
0xb9: {  	s29 =	simm.s32 $0x9;
	_ =	strace $0x80000048  }
0xba: {  	_ =	swait.ge [sflag:s29], $0x1  }
0xbb: {  	[sflag:s29] =	ssyncadd.s32 $0xFFFFFFFF  }
0xbc: {  	_ =	strace $0x90000048  }
0xbd: {  	_ =	sfence  }
0xbe: {  	s30 =	sld [smem:$0x0];
	_ =	sdelay $0x2  }
0xbf: {  	s31 =	sshll.u32 s1, $0xD;
	s1 =	sshrl.u32 s1, $0x2  }
0xc0: {  	s3 =	sand.u32 $0x4000, s31;
	s1 =	sadd.s32 s1, s30  }
0xc1: {  	s0 =	sor.u32 s3, s0;
	s1 =	sshll.u32 s1, $0x11  }
0xc2: {  	s0 =	sor.u32 s1, s0  }
0xc3: {  	s0 =	sadd.s32 $0x8F2B, s0  }
0xc4: {  	[sflag:s0] =	ssyncadd.remote.s32 $0x1  }
0xc5: {  	_ =	sfence.sel $0xFFFF  }
0xc6: {  	[dreg:$0x0] =	wrdreg $0xFFFFFFFF;
	(pc) =	sbr.abs _section_cstart, $3  }
0xc7: {  	[dreg:$0x1] =	wrdreg $0xFFFFFFFF  }
0xc8: {  	_ =	task.clear_ibuf [dreg:s8], $0x2FFFF;
	_ =	strace $0x9FFFFFFF  }
0xc9: {  	(tm) =	ssettm $0x7FFFFFFF  }
tec
execute0_lowered:
.L_overlay_start_1:
0x0: {  	(tag) =	ssettag $0x1  }
0x1: {  	s6 =	rddreg [dreg:$0x0]  }
0x2: {  	s3 =	rddreg [dreg:$0x1]  }
0x3: {  	s8 =	rddreg [dreg:$0x2]  }
0x4: {  	s0 =	rddreg [dreg:$0x3];
	s4 =	srdreg.scid  }
0x5: {  	s2 =	simm.s32 $0x0;
	s1 =	stileid.u32;
	s12 =	simm.s32 $0x1  }
0x6: {  	s13 =	simm.s32 $0x8000;
	s14 =	simm.s32 $0x10000;
	s15 =	simm.s32 $0x0  }
0x7: {  	s4 =	sand.u32 $0x1, s4;
	[smem:$0x7FF] =	sst s2;
	s7 =	sshll.u32 s1, $0x1  }
0x8: {  	s29 =	sadd.s32 $0x1400, s3;
	s5 =	ssub.s32 $0x2, s4;
	s4 =	sor.u32 s4, s7  }
0x9: {  	_ =	strace $0x80000047;
	s9 =	sshrl.u32 s5, $0x1;
	s10 =	sshll.u32 s4, $0xA  }
0xa: {  	s30 =	sshll.u32 s4, $0xD;
	s11 =	sshll.u32 s4, $0x8;
	s9 =	ssub.s32 s5, s9  }
0xb: {  	s3 =	sadd.s32 s6, s10;
	s4 =	sadd.s32 s29, s30;
	s10 =	sor.u32 $0x200, s10  }
0xc: {  	s5 =	sadd.s32 s8, s11;
	s11 =	simm.s32 $0x40000;
	s6 =	sadd.s32 s6, s10  }
0xd: {  	s31 =	sshll.u32 s10, $0x3;
	s10 =	sshrl.u32 s10, $0x2;
	s9 =	smax.u32 s9, $0x1  }
0xe: {  	v0 =	vimm.f32 $0.0e+00;
	v1 =	vlaneseq.u32;
	s7 =	sadd.s32 s29, s31;
	s8 =	sadd.s32 s8, s10;
	s10 =	simm.s32 $0x1000  }
.LBB2_1:
0xf: {  	[tilespmem:s2], [sflag:$0x1] =	stream.strided.gather [hbm4b:s3+s10], $0x8000, s11, s10, $0x38;
	[tilespmem:$0x10400] =	vst v63  }
0x10: {  	_ =	swait.ge [sflag:s12], $0x8000  }
0x11: {  	[sflag:s12] =	ssyncset.done $0x0  }
0x12: {  	s16 =	simm.s32 $0x0;
	[sflag:s12] =	ssyncadd.s32 $0xFFFF8000  }
.LBB2_2:
0x13: {  	s17 =	sshll.u32 s16, $0xA  }
0x14: {  	s19 =	sand.u32 $0x3FFFFC00, s17  }
0x15: {  	[tilespmem:s19+$0x8000] =	vst v0  }
0x16: {  	[tilespmem:s19+$0x8010] =	vst v0  }
0x17: {  	[tilespmem:s19+$0x8020] =	vst v0  }
0x18: {  	[tilespmem:s19+$0x8030] =	vst v0  }
0x19: {  	[tilespmem:s19+$0x8040] =	vst v0  }
0x1a: {  	[tilespmem:s19+$0x8050] =	vst v0  }
0x1b: {  	[tilespmem:s19+$0x8060] =	vst v0  }
0x1c: {  	[tilespmem:s19+$0x8070] =	vst v0  }
0x1d: {  	[tilespmem:s19+$0x8080] =	vst v0  }
0x1e: {  	[tilespmem:s19+$0x8090] =	vst v0  }
0x1f: {  	[tilespmem:s19+$0x80A0] =	vst v0  }
0x20: {  	[tilespmem:s19+$0x80B0] =	vst v0  }
0x21: {  	[tilespmem:s19+$0x80C0] =	vst v0  }
0x22: {  	[tilespmem:s19+$0x80D0] =	vst v0  }
0x23: {  	[tilespmem:s19+$0x80E0] =	vst v0  }
0x24: {  	[tilespmem:s19+$0x80F0] =	vst v0  }
0x25: {  	[tilespmem:s19+$0x8100] =	vst v0  }
0x26: {  	[tilespmem:s19+$0x8110] =	vst v0  }
0x27: {  	[tilespmem:s19+$0x8120] =	vst v0  }
0x28: {  	[tilespmem:s19+$0x8130] =	vst v0  }
0x29: {  	[tilespmem:s19+$0x8140] =	vst v0  }
0x2a: {  	[tilespmem:s19+$0x8150] =	vst v0  }
0x2b: {  	[tilespmem:s19+$0x8160] =	vst v0  }
0x2c: {  	[tilespmem:s19+$0x8170] =	vst v0  }
0x2d: {  	[tilespmem:s19+$0x8180] =	vst v0  }
0x2e: {  	[tilespmem:s19+$0x8190] =	vst v0  }
0x2f: {  	[tilespmem:s19+$0x81A0] =	vst v0  }
0x30: {  	[tilespmem:s19+$0x81B0] =	vst v0  }
0x31: {  	[tilespmem:s19+$0x81C0] =	vst v0  }
0x32: {  	[tilespmem:s19+$0x81D0] =	vst v0  }
0x33: {  	[tilespmem:s19+$0x81E0] =	vst v0  }
0x34: {  	[tilespmem:s19+$0x81F0] =	vst v0  }
0x35: {  	[tilespmem:s19+$0x8200] =	vst v0  }
0x36: {  	[tilespmem:s19+$0x8210] =	vst v0  }
0x37: {  	[tilespmem:s19+$0x8220] =	vst v0  }
0x38: {  	[tilespmem:s19+$0x8230] =	vst v0  }
0x39: {  	[tilespmem:s19+$0x8240] =	vst v0  }
0x3a: {  	[tilespmem:s19+$0x8250] =	vst v0  }
0x3b: {  	[tilespmem:s19+$0x8260] =	vst v0  }
0x3c: {  	[tilespmem:s19+$0x8270] =	vst v0  }
0x3d: {  	[tilespmem:s19+$0x8280] =	vst v0  }
0x3e: {  	[tilespmem:s19+$0x8290] =	vst v0  }
0x3f: {  	[tilespmem:s19+$0x82A0] =	vst v0  }
0x40: {  	[tilespmem:s19+$0x82B0] =	vst v0  }
0x41: {  	[tilespmem:s19+$0x82C0] =	vst v0  }
0x42: {  	[tilespmem:s19+$0x82D0] =	vst v0  }
0x43: {  	[tilespmem:s19+$0x82E0] =	vst v0  }
0x44: {  	[tilespmem:s19+$0x82F0] =	vst v0  }
0x45: {  	[tilespmem:s19+$0x8300] =	vst v0  }
0x46: {  	[tilespmem:s19+$0x8310] =	vst v0  }
0x47: {  	[tilespmem:s19+$0x8320] =	vst v0  }
0x48: {  	[tilespmem:s19+$0x8330] =	vst v0  }
0x49: {  	[tilespmem:s19+$0x8340] =	vst v0  }
0x4a: {  	[tilespmem:s19+$0x8350] =	vst v0  }
0x4b: {  	[tilespmem:s19+$0x8360] =	vst v0  }
0x4c: {  	[tilespmem:s19+$0x8370] =	vst v0  }
0x4d: {  	[tilespmem:s19+$0x8380] =	vst v0  }
0x4e: {  	s17 =	sshll.u32 s16, $0x4;
	[tilespmem:s19+$0x8390] =	vst v0  }
0x4f: {  	[tilespmem:s19+$0x83A0] =	vst v0;
	s18 =	sand.u32 $0x70, s17  }
0x50: {  	[tilespmem:s19+$0x83B0] =	vst v0;
	v2 =	vmov s18  }
0x51: {  	s20 =	sshll.u32 s16, $0x7;
	[tilespmem:s19+$0x83C0] =	vst v0;
	s18 =	simm.s32 $0x0  }
0x52: {  	s22 =	simm.s32 $0x0;
	s21 =	sand.u32 $0xC00, s20;
	[tilespmem:s19+$0x83D0] =	vst v0;
	s26 =	sand.u32 $0x7000, s18  }
0x53: {  	s22 =	sand.u32 $0x200, s22;
	[tilespmem:s19+$0x83E0] =	vst v0;
	s23 =	sor.u32 s26, s21  }
0x54: {  	[tilespmem:s19+$0x83F0] =	vst v0;
	s28 =	sadd.s32 s22, s23  }
0x55: {  	s29 =	simm.s32 $0x80;
	v3 =	vld.idx.msk [tilespmem:v2+s28+$0x0 ss:$0x1], $0xffff  }
0x56: {  	s19 =	sand.u32 $0x280, s29  }
0x57: {  	s19 =	sadd.s32 s19, s23  }
0x58: {  	s30 =	simm.s32 $0x100;
	v4 =	vld.idx.msk [tilespmem:v2+s19+$0x0 ss:$0x1], $0xffff  }
0x59: {  	v6 =	vimm.f32 $-Inf;
	s20 =	sand.u32 $0x300, s30  }
0x5a: {  	s31 =	simm.s32 $0x180;
	s24 =	sadd.s32 s20, s23;
	vm0 =	vgt.f32 v3, v6  }
0x5b: {  	v7 =	vimm.s32 $0x0;
	s25 =	sand.u32 $0x380, s31;
	s26 =	simm.s32 $0x200;
	s20 =	simm.s32 $0x380;
	v5 =	vld.idx.msk [tilespmem:v2+s24+$0x0 ss:$0x1], $0xffff;
	v8 =	vsel vm0, v3, v6  }
0x5c: {  	s22 =	simm.s32 $0x1;
	s28 =	sadd.s32 s25, s23;
	s23 =	simm.s32 $0x800;
	v3 =	vsel vm0, s18, v7;
	v9 =	vsel vm0, v6, v8  }
0x5d: {  	s19 =	simm.s32 $0x4;
	s24 =	simm.s32 $0x8;
	s25 =	sand.u32 $0x7000, s23;
	v6 =	vsel vm0, v7, v3;
	v7 =	vld.idx.msk [tilespmem:v2+s28+$0x0 ss:$0x1], $0xffff;
	vm0 =	vgt.f32 v4, v9  }
.LBB2_3:
0x5e: {  	p0 =	slt.u32 s24, $0x3C;
	s26 =	sand.u32 $0x200, s26;
	s25 =	sor.u32 s25, s21;
	vm1 =	vgt.f32 v4, v8;
	v9 =	vsel vm0, v4, v9;
	v6 =	vsel vm0, s22, v6  }
0x5f: {  	s26 =	sadd.s32 s26, s25;
	v9 =	vsel vm1, v8, v9;
	v6 =	vsel vm1, v3, v6;
	v3 =	vsel vm1, s22, v3  }
0x60: {  	s22 =	sadd.s32 $0xFFFFFF00, s20;
	v8 =	vsel vm1, v4, v8;
	v10 =	vld.idx.msk [tilespmem:v2+s26+$0x0 ss:$0x1], $0xffff;
	s26 =	sadd.s32 $0x2, s18;
	vm0 =	vgt.f32 v5, v9  }
0x61: {  	s22 =	sand.u32 $0x280, s22;
	vm1 =	vgt.f32 v5, v8;
	v4 =	vsel vm0, v5, v9;
	v6 =	vsel vm0, s26, v6  }
0x62: {  	s22 =	sadd.s32 s22, s25;
	v9 =	vsel vm1, v8, v4;
	v6 =	vsel vm1, v3, v6;
	v3 =	vsel vm1, s26, v3  }
0x63: {  	v5 =	vsel vm1, v5, v8;
	s26 =	sadd.s32 $0x3, s18;
	s18 =	smov.u32 s19;
	v4 =	vld.idx.msk [tilespmem:v2+s22+$0x0 ss:$0x1], $0xffff;
	s22 =	sadd.s32 $0xFFFFFF80, s20;
	vm0 =	vgt.f32 v7, v9  }
0x64: {  	vm1 =	vgt.f32 v7, v5;
	s19 =	smov.u32 s24;
	s22 =	sand.u32 $0x300, s22;
	v8 =	vsel vm0, v7, v9;
	v6 =	vsel vm0, s26, v6  }
.Ltmp0:
0x65: {  	v7 =	vsel vm1, v7, v5;
	s22 =	sadd.s32 s22, s25;
	v8 =	vsel vm1, v5, v8;
	v6 =	vsel vm1, v3, v6;
	(pc) =	sbr.rel @p0 .LBB2_3-.Ltmp0, $4  }
0x66: {  	v3 =	vsel vm1, s26, v3;
	vm0 =	vgt.f32 v10, v8;
	v5 =	vld.idx.msk [tilespmem:v2+s22+$0x0 ss:$0x1], $0xffff  }
0x67: {  	vm1 =	vgt.f32 v10, v7;
	s26 =	sand.u32 $0x380, s20;
	s20 =	sadd.s32 $0x200, s20;
	v8 =	vsel vm0, v10, v8;
	v6 =	vsel vm0, s18, v6  }
0x68: {  	s23 =	sadd.s32 $0x800, s23;
	s22 =	sadd.s32 $0x1, s18;
	s28 =	sadd.s32 s26, s25;
	v9 =	vsel vm1, v7, v8;
	v6 =	vsel vm1, v3, v6;
	v3 =	vsel vm1, s18, v3  }
0x69: {  	s24 =	sadd.s32 $0x4, s24;
	s25 =	sand.u32 $0x7000, s23;
	s26 =	sadd.s32 $0xFFFFFE80, s20;
	v8 =	vsel vm1, v10, v7;
	vm0 =	vgt.f32 v4, v9;
	v7 =	vld.idx.msk [tilespmem:v2+s28+$0x0 ss:$0x1], $0xffff  }
0x6a: {  	_ = 	snop  }
0x6b: {  	vm1 =	vgt.f32 v4, v8;
	v9 =	vsel vm0, v4, v9  }
0x6c: {  	s23 =	sand.u32 $0x200, s26;
	s21 =	sor.u32 s25, s21;
	v9 =	vsel vm1, v8, v9  }
0x6d: {  	s23 =	sadd.s32 s23, s21;
	v51 =	vsel vm1, v4, v8;
	vm2 =	vgt.f32 v5, v9  }
0x6e: {  	s31 =	sadd.s32 $0xFFFFFF00, s20;
	v52 =	vld.idx.msk [tilespmem:v2+s23+$0x0 ss:$0x1], $0xffff;
	vm3 =	vgt.f32 v5, v51;
	v9 =	vsel vm2, v5, v9  }
0x6f: {  	s23 =	sand.u32 $0x280, s31;
	v9 =	vsel vm3, v51, v9  }
0x70: {  	s23 =	sadd.s32 s23, s21;
	v4 =	vsel vm3, v5, v51;
	vm5 =	vgt.f32 v7, v9  }
0x71: {  	s24 =	sadd.s32 $0xFFFFFF80, s20;
	v53 =	vld.idx.msk [tilespmem:v2+s23+$0x0 ss:$0x1], $0xffff;
	vm4 =	vgt.f32 v7, v4;
	v9 =	vsel vm5, v7, v9  }
0x72: {  	s23 =	sand.u32 $0x300, s24;
	v9 =	vsel vm4, v4, v9  }
0x73: {  	s23 =	sadd.s32 s23, s21;
	v4 =	vsel vm4, v7, v4;
	vm7 =	vgt.f32 v52, v9  }
0x74: {  	v54 =	vld.idx.msk [tilespmem:v2+s23+$0x0 ss:$0x1], $0xffff;
	vm6 =	vgt.f32 v52, v4;
	v9 =	vsel vm7, v52, v9  }
0x75: {  	s25 =	sand.u32 $0x380, s20;
	v9 =	vsel vm6, v4, v9  }
0x76: {  	s20 =	sadd.s32 s25, s21;
	v4 =	vsel vm6, v52, v4;
	vm10 =	vgt.f32 v53, v9  }
0x77: {  	v2 =	vld.idx.msk [tilespmem:v2+s20+$0x0 ss:$0x1], $0xffff;
	vm8 =	vgt.f32 v53, v4;
	v55 =	vsel vm10, v53, v9  }
0x78: {  	v8 =	vsel vm8, v4, v55  }
0x79: {  	v4 =	vsel vm8, v53, v4;
	vm12 =	vgt.f32 v54, v8  }
0x7a: {  	vm11 =	vgt.f32 v54, v4;
	v56 =	vsel vm12, v54, v8  }
0x7b: {  	v5 =	vsel vm11, v4, v56  }
0x7c: {  	v4 =	vsel vm11, v54, v4;
	vm13 =	vgt.f32 v2, v5  }
0x7d: {  	vm9 =	vgt.f32 v2, v4;
	v5 =	vsel vm13, v2, v5  }
0x7e: {  	v2 =	vsel vm9, v2, v4;
	v5 =	vsel vm9, v4, v5  }
0x7f: {  	v2 =	vsub.f32 v5, v2;
	_ =	sdelay $0x1  }
0x80: {  	v2 =	vmul.f32 $1.442695020e+00, v2;
	_ =	sdelay $0x1  }
0x81: {  	(erf) = vpow2.f32 v2;
	_ =	sdelay $0x4  }
0x82: {  	v2 =	vsel vm0, s22, v6  }
0x83: {  	s26 =	sadd.s32 $0x2, s18;
	v2 =	vsel vm1, v3, v2  }
0x84: {  	v3 =	vsel vm1, s22, v3;
	v2 =	vsel vm2, s26, v2  }
0x85: {  	s28 =	sadd.s32 $0x3, s18;
	v2 =	vsel vm3, v3, v2  }
0x86: {  	v3 =	vsel vm3, s26, v3;
	v2 =	vsel vm5, s28, v2;
	v57 =	vpop (erf)  }
0x87: {  	v2 =	vsel vm4, v3, v2;
	v58 =	vadd.f32 $1.000000000e+00, v57  }
0x88: {  	v3 =	vsel vm4, s28, v3;
	v2 =	vsel vm7, s19, v2  }
0x89: {  	s29 =	sadd.s32 $0x1, s19;
	v2 =	vsel vm6, v3, v2;
	(erf) = vrcp.f32 v58  }
0x8a: {  	v3 =	vsel vm6, s19, v3;
	v2 =	vsel vm10, s29, v2  }
0x8b: {  	s30 =	sadd.s32 $0x2, s19;
	v2 =	vsel vm8, v3, v2  }
0x8c: {  	v3 =	vsel vm8, s29, v3;
	v2 =	vsel vm12, s30, v2  }
0x8d: {  	v59 =	vor.u32 s17, v1;
	s31 =	sadd.s32 $0x3, s19;
	v2 =	vsel vm11, v3, v2;
	v3 =	vsel vm11, s30, v3  }
0x8e: {  	v61 =	vshll.u32 v59, $0x6;
	v2 =	vsel vm13, s31, v2;
	v60 =	vsel vm9, s31, v3  }
0x8f: {  	v2 =	vsel vm9, v3, v2;
	v3 =	vadd.s32 v61, v60  }
0x90: {  	v7 =	vadd.s32 v61, v2  }
0x91: {  	s16 =	sadd.s32 $0x1, s16;
	v5 =	vshll.u32 v59, $0x1  }
0x92: {  	p0 =	sne.s32 s16, $0x20;
	v63 =	vor.u32 $0x1, v5;
	v62 =	vpop (erf)  }
.Ltmp1:
0x93: {  	v4 =	vmul.f32 v62, v57;
	(pc) =	sbr.rel @p0 .LBB2_2-.Ltmp1, $4  }
0x94: {  	[tilespmem:v3+s13+$0x0] =	vst.idx.msk $0xffff, v62  }
0x95: {  	[tilespmem:v7+s13+$0x0] =	vst.idx.msk $0xffff, v4  }
0x96: {  	[tilespmem:v5+s14+$0x0] =	vst.idx.msk $0xffff, v60  }
0x97: {  	[tilespmem:v63+s14+$0x0] =	vst.idx.msk $0xffff, v2  }
0x98: {  	s16 =	simm.s32 $0x0  }
0x99: {  	[hbm4b:s4+s16] =	stream.linear.scatter [tilespmem:s13], [sflag:$0x1], $0x8000, $0x38;
	[tilespmem:$0x10400] =	vst v63  }
0x9a: {  	_ =	swait.ge [sflag:s12], $0x8000  }
0x9b: {  	[sflag:s12] =	ssyncset.done $0x0  }
0x9c: {  	[sflag:s12] =	ssyncadd.s32 $0xFFFF8000  }
0x9d: {  	[hbm4b:s5+s16] =	stream.linear.scatter [tilespmem:s14], [sflag:$0x1], $0x400, $0x38;
	[tilespmem:$0x10400] =	vst v63  }
0x9e: {  	_ =	swait.ge [sflag:s12], $0x400  }
0x9f: {  	[sflag:s12] =	ssyncset.done $0x0  }
0xa0: {  	[sflag:s12] =	ssyncadd.s32 $0xFFFFFC00  }
0xa1: {  	[tilespmem:s16], [sflag:$0x1] =	stream.strided.gather [hbm4b:s6+s10], $0x8000, s11, s10, $0x38;
	[tilespmem:$0x10400] =	vst v63  }
0xa2: {  	_ =	swait.ge [sflag:s12], $0x8000  }
0xa3: {  	[sflag:s12] =	ssyncset.done $0x0  }
0xa4: {  	s17 =	simm.s32 $0x0;
	[sflag:s12] =	ssyncadd.s32 $0xFFFF8000  }
.LBB2_6:
0xa5: {  	s18 =	sshll.u32 s17, $0xA  }
0xa6: {  	s19 =	sand.u32 $0x3FFFFC00, s18  }
0xa7: {  	[tilespmem:s19+$0x8000] =	vst v0  }
0xa8: {  	[tilespmem:s19+$0x8010] =	vst v0  }
0xa9: {  	[tilespmem:s19+$0x8020] =	vst v0  }
0xaa: {  	[tilespmem:s19+$0x8030] =	vst v0  }
0xab: {  	[tilespmem:s19+$0x8040] =	vst v0  }
0xac: {  	[tilespmem:s19+$0x8050] =	vst v0  }
0xad: {  	[tilespmem:s19+$0x8060] =	vst v0  }
0xae: {  	[tilespmem:s19+$0x8070] =	vst v0  }
0xaf: {  	[tilespmem:s19+$0x8080] =	vst v0  }
0xb0: {  	[tilespmem:s19+$0x8090] =	vst v0  }
0xb1: {  	[tilespmem:s19+$0x80A0] =	vst v0  }
0xb2: {  	[tilespmem:s19+$0x80B0] =	vst v0  }
0xb3: {  	[tilespmem:s19+$0x80C0] =	vst v0  }
0xb4: {  	[tilespmem:s19+$0x80D0] =	vst v0  }
0xb5: {  	[tilespmem:s19+$0x80E0] =	vst v0  }
0xb6: {  	[tilespmem:s19+$0x80F0] =	vst v0  }
0xb7: {  	[tilespmem:s19+$0x8100] =	vst v0  }
0xb8: {  	[tilespmem:s19+$0x8110] =	vst v0  }
0xb9: {  	[tilespmem:s19+$0x8120] =	vst v0  }
0xba: {  	[tilespmem:s19+$0x8130] =	vst v0  }
0xbb: {  	[tilespmem:s19+$0x8140] =	vst v0  }
0xbc: {  	[tilespmem:s19+$0x8150] =	vst v0  }
0xbd: {  	[tilespmem:s19+$0x8160] =	vst v0  }
0xbe: {  	[tilespmem:s19+$0x8170] =	vst v0  }
0xbf: {  	[tilespmem:s19+$0x8180] =	vst v0  }
0xc0: {  	[tilespmem:s19+$0x8190] =	vst v0  }
0xc1: {  	[tilespmem:s19+$0x81A0] =	vst v0  }
0xc2: {  	[tilespmem:s19+$0x81B0] =	vst v0  }
0xc3: {  	[tilespmem:s19+$0x81C0] =	vst v0  }
0xc4: {  	[tilespmem:s19+$0x81D0] =	vst v0  }
0xc5: {  	[tilespmem:s19+$0x81E0] =	vst v0  }
0xc6: {  	[tilespmem:s19+$0x81F0] =	vst v0  }
0xc7: {  	[tilespmem:s19+$0x8200] =	vst v0  }
0xc8: {  	[tilespmem:s19+$0x8210] =	vst v0  }
0xc9: {  	[tilespmem:s19+$0x8220] =	vst v0  }
0xca: {  	[tilespmem:s19+$0x8230] =	vst v0  }
0xcb: {  	[tilespmem:s19+$0x8240] =	vst v0  }
0xcc: {  	[tilespmem:s19+$0x8250] =	vst v0  }
0xcd: {  	[tilespmem:s19+$0x8260] =	vst v0  }
0xce: {  	[tilespmem:s19+$0x8270] =	vst v0  }
0xcf: {  	[tilespmem:s19+$0x8280] =	vst v0  }
0xd0: {  	[tilespmem:s19+$0x8290] =	vst v0  }
0xd1: {  	[tilespmem:s19+$0x82A0] =	vst v0  }
0xd2: {  	[tilespmem:s19+$0x82B0] =	vst v0  }
0xd3: {  	[tilespmem:s19+$0x82C0] =	vst v0  }
0xd4: {  	[tilespmem:s19+$0x82D0] =	vst v0  }
0xd5: {  	[tilespmem:s19+$0x82E0] =	vst v0  }
0xd6: {  	[tilespmem:s19+$0x82F0] =	vst v0  }
0xd7: {  	[tilespmem:s19+$0x8300] =	vst v0  }
0xd8: {  	[tilespmem:s19+$0x8310] =	vst v0  }
0xd9: {  	[tilespmem:s19+$0x8320] =	vst v0  }
0xda: {  	[tilespmem:s19+$0x8330] =	vst v0  }
0xdb: {  	[tilespmem:s19+$0x8340] =	vst v0  }
0xdc: {  	[tilespmem:s19+$0x8350] =	vst v0  }
0xdd: {  	[tilespmem:s19+$0x8360] =	vst v0  }
0xde: {  	[tilespmem:s19+$0x8370] =	vst v0  }
0xdf: {  	[tilespmem:s19+$0x8380] =	vst v0  }
0xe0: {  	s18 =	sshll.u32 s17, $0x4;
	[tilespmem:s19+$0x8390] =	vst v0  }
0xe1: {  	[tilespmem:s19+$0x83A0] =	vst v0;
	s20 =	sand.u32 $0x70, s18  }
0xe2: {  	[tilespmem:s19+$0x83B0] =	vst v0;
	v2 =	vmov s20  }
0xe3: {  	s24 =	sshll.u32 s17, $0x7;
	[tilespmem:s19+$0x83C0] =	vst v0  }
0xe4: {  	s25 =	sand.u32 $0x7000, s16;
	s21 =	simm.s32 $0x0;
	s22 =	sand.u32 $0xC00, s24;
	[tilespmem:s19+$0x83D0] =	vst v0  }
0xe5: {  	s21 =	sand.u32 $0x200, s21;
	[tilespmem:s19+$0x83E0] =	vst v0;
	s20 =	sor.u32 s25, s22  }
0xe6: {  	[tilespmem:s19+$0x83F0] =	vst v0;
	s26 =	sadd.s32 s21, s20  }
0xe7: {  	s29 =	simm.s32 $0x80;
	v3 =	vld.idx.msk [tilespmem:v2+s26+$0x0 ss:$0x1], $0xffff  }
0xe8: {  	s19 =	sand.u32 $0x280, s29  }
0xe9: {  	s19 =	sadd.s32 s19, s20  }
0xea: {  	s30 =	simm.s32 $0x100;
	v4 =	vld.idx.msk [tilespmem:v2+s19+$0x0 ss:$0x1], $0xffff  }
0xeb: {  	v6 =	vimm.f32 $-Inf;
	s31 =	sand.u32 $0x300, s30  }
0xec: {  	s23 =	simm.s32 $0x180;
	s28 =	simm.s32 $0x200;
	s25 =	sadd.s32 s31, s20;
	vm0 =	vgt.f32 v3, v6  }
0xed: {  	v7 =	vimm.s32 $0x0;
	s24 =	simm.s32 $0x800;
	s21 =	simm.s32 $0x380;
	s26 =	sand.u32 $0x380, s23;
	v5 =	vld.idx.msk [tilespmem:v2+s25+$0x0 ss:$0x1], $0xffff;
	v8 =	vsel vm0, v3, v6  }
0xee: {  	s19 =	simm.s32 $0x4;
	s23 =	simm.s32 $0x1;
	s20 =	sadd.s32 s26, s20;
	v3 =	vsel vm0, s16, v7;
	v9 =	vsel vm0, v6, v8  }
0xef: {  	s25 =	simm.s32 $0x8;
	s26 =	sand.u32 $0x7000, s24;
	v6 =	vsel vm0, v7, v3;
	v7 =	vld.idx.msk [tilespmem:v2+s20+$0x0 ss:$0x1], $0xffff;
	s20 =	simm.s32 $0x0;
	vm0 =	vgt.f32 v4, v9  }
.LBB2_7:
0xf0: {  	p0 =	slt.u32 s25, $0x3C;
	s28 =	sand.u32 $0x200, s28;
	s26 =	sor.u32 s26, s22;
	vm1 =	vgt.f32 v4, v8;
	v9 =	vsel vm0, v4, v9;
	v6 =	vsel vm0, s23, v6  }
0xf1: {  	s28 =	sadd.s32 s28, s26;
	v9 =	vsel vm1, v8, v9;
	v6 =	vsel vm1, v3, v6;
	v3 =	vsel vm1, s23, v3  }
0xf2: {  	s23 =	sadd.s32 $0xFFFFFF00, s21;
	v8 =	vsel vm1, v4, v8;
	v10 =	vld.idx.msk [tilespmem:v2+s28+$0x0 ss:$0x1], $0xffff;
	s28 =	sadd.s32 $0x2, s20;
	vm0 =	vgt.f32 v5, v9  }
0xf3: {  	s23 =	sand.u32 $0x280, s23;
	vm1 =	vgt.f32 v5, v8;
	v4 =	vsel vm0, v5, v9;
	v6 =	vsel vm0, s28, v6  }
0xf4: {  	s23 =	sadd.s32 s23, s26;
	v9 =	vsel vm1, v8, v4;
	v6 =	vsel vm1, v3, v6;
	v3 =	vsel vm1, s28, v3  }
0xf5: {  	v5 =	vsel vm1, v5, v8;
	s28 =	sadd.s32 $0x3, s20;
	s20 =	smov.u32 s19;
	v4 =	vld.idx.msk [tilespmem:v2+s23+$0x0 ss:$0x1], $0xffff;
	s23 =	sadd.s32 $0xFFFFFF80, s21;
	vm0 =	vgt.f32 v7, v9  }
0xf6: {  	vm1 =	vgt.f32 v7, v5;
	s19 =	smov.u32 s25;
	s23 =	sand.u32 $0x300, s23;
	v8 =	vsel vm0, v7, v9;
	v6 =	vsel vm0, s28, v6  }
.Ltmp2:
0xf7: {  	v7 =	vsel vm1, v7, v5;
	s23 =	sadd.s32 s23, s26;
	v8 =	vsel vm1, v5, v8;
	v6 =	vsel vm1, v3, v6;
	(pc) =	sbr.rel @p0 .LBB2_7-.Ltmp2, $4  }
0xf8: {  	v3 =	vsel vm1, s28, v3;
	vm0 =	vgt.f32 v10, v8;
	v5 =	vld.idx.msk [tilespmem:v2+s23+$0x0 ss:$0x1], $0xffff  }
0xf9: {  	vm1 =	vgt.f32 v10, v7;
	s28 =	sand.u32 $0x380, s21;
	s21 =	sadd.s32 $0x200, s21;
	v8 =	vsel vm0, v10, v8;
	v6 =	vsel vm0, s20, v6  }
0xfa: {  	s24 =	sadd.s32 $0x800, s24;
	s23 =	sadd.s32 $0x1, s20;
	s29 =	sadd.s32 s28, s26;
	v9 =	vsel vm1, v7, v8;
	v6 =	vsel vm1, v3, v6;
	v3 =	vsel vm1, s20, v3  }
0xfb: {  	s25 =	sadd.s32 $0x4, s25;
	s26 =	sand.u32 $0x7000, s24;
	s28 =	sadd.s32 $0xFFFFFE80, s21;
	v8 =	vsel vm1, v10, v7;
	vm0 =	vgt.f32 v4, v9;
	v7 =	vld.idx.msk [tilespmem:v2+s29+$0x0 ss:$0x1], $0xffff  }
0xfc: {  	_ = 	snop  }
0xfd: {  	vm1 =	vgt.f32 v4, v8;
	v9 =	vsel vm0, v4, v9  }
0xfe: {  	s24 =	sand.u32 $0x200, s28;
	s22 =	sor.u32 s26, s22;
	v9 =	vsel vm1, v8, v9  }
0xff: {  	s24 =	sadd.s32 s24, s22;
	v51 =	vsel vm1, v4, v8;
	vm2 =	vgt.f32 v5, v9  }
0x100: {  	s30 =	sadd.s32 $0xFFFFFF00, s21;
	v52 =	vld.idx.msk [tilespmem:v2+s24+$0x0 ss:$0x1], $0xffff;
	vm3 =	vgt.f32 v5, v51;
	v9 =	vsel vm2, v5, v9  }
0x101: {  	s24 =	sand.u32 $0x280, s30;
	v9 =	vsel vm3, v51, v9  }
0x102: {  	s24 =	sadd.s32 s24, s22;
	v4 =	vsel vm3, v5, v51;
	vm5 =	vgt.f32 v7, v9  }
0x103: {  	s31 =	sadd.s32 $0xFFFFFF80, s21;
	v53 =	vld.idx.msk [tilespmem:v2+s24+$0x0 ss:$0x1], $0xffff;
	vm4 =	vgt.f32 v7, v4;
	v9 =	vsel vm5, v7, v9  }
0x104: {  	s24 =	sand.u32 $0x300, s31;
	v9 =	vsel vm4, v4, v9  }
0x105: {  	s24 =	sadd.s32 s24, s22;
	v4 =	vsel vm4, v7, v4;
	vm7 =	vgt.f32 v52, v9  }
0x106: {  	v54 =	vld.idx.msk [tilespmem:v2+s24+$0x0 ss:$0x1], $0xffff;
	vm6 =	vgt.f32 v52, v4;
	v9 =	vsel vm7, v52, v9  }
0x107: {  	s25 =	sand.u32 $0x380, s21;
	v9 =	vsel vm6, v4, v9  }
0x108: {  	s21 =	sadd.s32 s25, s22;
	v4 =	vsel vm6, v52, v4;
	vm10 =	vgt.f32 v53, v9  }
0x109: {  	v2 =	vld.idx.msk [tilespmem:v2+s21+$0x0 ss:$0x1], $0xffff;
	vm8 =	vgt.f32 v53, v4;
	v55 =	vsel vm10, v53, v9  }
0x10a: {  	v8 =	vsel vm8, v4, v55  }
0x10b: {  	v4 =	vsel vm8, v53, v4;
	vm12 =	vgt.f32 v54, v8  }
0x10c: {  	vm11 =	vgt.f32 v54, v4;
	v56 =	vsel vm12, v54, v8  }
0x10d: {  	v5 =	vsel vm11, v4, v56  }
0x10e: {  	v4 =	vsel vm11, v54, v4;
	vm13 =	vgt.f32 v2, v5  }
0x10f: {  	vm9 =	vgt.f32 v2, v4;
	v5 =	vsel vm13, v2, v5  }
0x110: {  	v2 =	vsel vm9, v2, v4;
	v5 =	vsel vm9, v4, v5  }
0x111: {  	v2 =	vsub.f32 v5, v2;
	_ =	sdelay $0x1  }
0x112: {  	v2 =	vmul.f32 $1.442695020e+00, v2;
	_ =	sdelay $0x1  }
0x113: {  	(erf) = vpow2.f32 v2;
	_ =	sdelay $0x4  }
0x114: {  	v2 =	vsel vm0, s23, v6  }
0x115: {  	s26 =	sadd.s32 $0x2, s20;
	v2 =	vsel vm1, v3, v2  }
0x116: {  	v3 =	vsel vm1, s23, v3;
	v2 =	vsel vm2, s26, v2  }
0x117: {  	s28 =	sadd.s32 $0x3, s20;
	v2 =	vsel vm3, v3, v2  }
0x118: {  	v3 =	vsel vm3, s26, v3;
	v2 =	vsel vm5, s28, v2;
	v57 =	vpop (erf)  }
0x119: {  	v2 =	vsel vm4, v3, v2;
	v58 =	vadd.f32 $1.000000000e+00, v57  }
0x11a: {  	v3 =	vsel vm4, s28, v3;
	v2 =	vsel vm7, s19, v2  }
0x11b: {  	s29 =	sadd.s32 $0x1, s19;
	v2 =	vsel vm6, v3, v2;
	(erf) = vrcp.f32 v58  }
0x11c: {  	v3 =	vsel vm6, s19, v3;
	v2 =	vsel vm10, s29, v2  }
0x11d: {  	s30 =	sadd.s32 $0x2, s19;
	v2 =	vsel vm8, v3, v2  }
0x11e: {  	v3 =	vsel vm8, s29, v3;
	v2 =	vsel vm12, s30, v2  }
0x11f: {  	v59 =	vor.u32 s18, v1;
	s31 =	sadd.s32 $0x3, s19;
	v2 =	vsel vm11, v3, v2;
	v3 =	vsel vm11, s30, v3  }
0x120: {  	v61 =	vshll.u32 v59, $0x6;
	v2 =	vsel vm13, s31, v2;
	v60 =	vsel vm9, s31, v3  }
0x121: {  	v2 =	vsel vm9, v3, v2;
	v3 =	vadd.s32 v61, v60  }
0x122: {  	v7 =	vadd.s32 v61, v2  }
0x123: {  	s17 =	sadd.s32 $0x1, s17;
	v5 =	vshll.u32 v59, $0x1  }
0x124: {  	p0 =	sne.s32 s17, $0x20;
	v63 =	vor.u32 $0x1, v5;
	v62 =	vpop (erf)  }
.Ltmp3:
0x125: {  	v4 =	vmul.f32 v62, v57;
	(pc) =	sbr.rel @p0 .LBB2_6-.Ltmp3, $4  }
0x126: {  	[tilespmem:v3+s13+$0x0] =	vst.idx.msk $0xffff, v62  }
0x127: {  	[tilespmem:v7+s13+$0x0] =	vst.idx.msk $0xffff, v4  }
0x128: {  	[tilespmem:v5+s14+$0x0] =	vst.idx.msk $0xffff, v60  }
0x129: {  	[tilespmem:v63+s14+$0x0] =	vst.idx.msk $0xffff, v2  }
0x12a: {  	[hbm4b:s7+s2] =	stream.linear.scatter [tilespmem:s13], [sflag:$0x1], $0x8000, $0x38;
	[tilespmem:$0x10400] =	vst v63  }
0x12b: {  	s15 =	sadd.s32 $0x1, s15;
	_ =	swait.ge [sflag:s12], $0x8000  }
0x12c: {  	p0 =	sne.s32 s15, s9;
	[sflag:s12] =	ssyncset.done $0x0  }
.Ltmp4:
0x12d: {  	[sflag:s12] =	ssyncadd.s32 $0xFFFF8000;
	(pc) =	sbr.rel @p0 .LBB2_1-.Ltmp4, $4  }
0x12e: {  	[hbm4b:s8+s2] =	stream.linear.scatter [tilespmem:s14], [sflag:$0x1], $0x400, $0x38;
	[tilespmem:$0x10400] =	vst v63  }
0x12f: {  	_ =	swait.ge [sflag:s12], $0x400  }
0x130: {  	[sflag:s12] =	ssyncset.done $0x0  }
0x131: {  	[sflag:s12] =	ssyncadd.s32 $0xFFFFFC00  }
0x132: {  	_ =	sfence.sel $0x180000  }
0x133: {  	[bflag:$0x0] =	sbarrier.arrive $0xFFFF  }
0x134: {  	p0 =	sne.s32 s1, $0x0;
	_ =	strace $0x90000047  }
0x135: {  	s0 =	sadd.s32 @!p0 $0x100000, s0;
	[bflag:$0x2] =	sbarrier.arrive $0xFFFF  }
0x136: {  	[sflag:s0] =	ssyncadd.tile.s32 @!p0 $0x1;
	_ =	shalt  }
.Lfunc_end2:
_tile_overlayer_lowered:
.L_overlay_start_2:
0x137: {  	(tag) =	ssettag $0x2  }
0x138: {  	s0 =	rddreg [dreg:$0x0];
	s2 =	stileid.u32  }
0x139: {  	s1 =	rddreg [dreg:$0x1];
	p0 =	sne.s32 s2, $0x0  }
0x13a: {  	s3 =	rddreg [dreg:$0x2];
	[bflag:$0x3] =	sbarrier.arrive $0xFFFF;
	s2 =	simm.s32 @!p0 $0x1C01  }
0x13b: {  	[timem:s3], [sflag:s2] =	dma.local @!p0 [hbm:s0], s1  }
0x13c: {  	s0 =	simm.s32 @!p0 $0x1  }
0x13d: {  	_ =	swait.ge @!p0 [sflag:s0], s1  }
0x13e: {  	s1 =	ssub.s32 @!p0 $0x0, s1;
	[sflag:s0] =	ssyncset.done @!p0 $0x0  }
0x13f: {  	[sflag:s0] =	ssyncadd.s32 @!p0 s1  }
0x140: {  	[bflag:$0x3] =	sbarrier.arrive $0xFFFF  }
0x141: {  	_ =	shalt  }

</sc_bundles>
